<compile_context>
chip_gen: v7x
topology: tpu7x:2x2x1
jax: 0.10.2.dev20260603
libtpu: 0.0.44.dev20260713+nightly
codegen_flags: <defaults>
</compile_context>

<pallas_src>
import functools

import jax
import jax.numpy as jnp
from jax import lax
from jax.experimental import pallas as pl
from jax.experimental.pallas import tpu as pltpu
from jax.experimental.pallas import tpu_sc as plsc

_NC = 2
_NS = 16
_NW = _NC * _NS


@functools.lru_cache(maxsize=None)
def _make_gather(V, D, B):
  b_per_w = B // _NW
  n_grp = b_per_w // 16
  mesh = plsc.VectorSubcoreMesh(core_axis_name="c", subcore_axis_name="s")

  @functools.partial(
      pl.kernel,
      mesh=mesh,
      out_type=jax.ShapeDtypeStruct((D, B), jnp.float32),
      scratch_types=[
          pltpu.VMEM((b_per_w,), jnp.int32),
          pltpu.VMEM((b_per_w, D), jnp.float32),
          pltpu.VMEM((D, b_per_w), jnp.float32),
          pltpu.SemaphoreType.DMA,
      ],
      compiler_params=pltpu.CompilerParams(needs_layout_passes=False),
  )
  def gather_kernel(table_hbm, idx_hbm, outT_hbm, idx_v, rows_v, rowsT_v, sem):
    wid = lax.axis_index("s") * _NC + lax.axis_index("c")
    base = wid * b_per_w
    pltpu.sync_copy(idx_hbm.at[pl.ds(base, b_per_w)], idx_v)
    lane = lax.iota(jnp.int32, 16)

    @plsc.parallel_loop(0, n_grp)
    def issue16(g):
      v = idx_v[pl.ds(g * 16, 16)]
      for k in range(16):
        r = jnp.max(jnp.where(lane == k, v, 0))
        pltpu.async_copy(
            table_hbm.at[pl.ds(r, 1)], rows_v.at[pl.ds(g * 16 + k, 1)], sem)

    pltpu.make_async_copy(
        table_hbm.at[pl.ds(0, b_per_w)], rows_v, sem).wait()

    @plsc.parallel_loop(0, n_grp)
    def tblock(g):
      jvec = g * 16 + lane
      for c in range(D):
        cvec = jnp.full((16,), c, jnp.int32)
        val = plsc.load_gather(rows_v, [jvec, cvec])
        rowsT_v[c, pl.ds(g * 16, 16)] = val
    pltpu.sync_copy(rowsT_v, outT_hbm.at[:, pl.ds(base, b_per_w)])

  return gather_kernel


def kernel(customer_id, user_embedding_table):
  (B,) = customer_id.shape
  V, D = user_embedding_table.shape
  outT = _make_gather(V, D, B)(user_embedding_table,
                               customer_id.astype(jnp.int32))
  return outT.T

# --- scband reference (transcript-rebuilt; emitter-appended) ---
"""Pipeline reference for scband-user-model-20134806684260 (READ-ONLY COPY).

The authoritative reference and input builder live on the scoring server;
editing this copy changes nothing except your own understanding.
"""

import jax, jax.numpy as jnp
import numpy as np

NUM_EMBEDDINGS = 100001
EMBED_DIM = 32
BATCH = 16384

def setup_inputs(seed: int = 0) -> dict:
    key = jax.random.key(seed)
    k_idx, k_tab = jax.random.split(key)
    customer_id = jax.random.randint(k_idx, (BATCH,), 0, NUM_EMBEDDINGS, dtype=jnp.int64 if jax.config.jax_enable_x64 else jnp.int32)
    user_embedding_table = jax.random.normal(k_tab, (NUM_EMBEDDINGS, EMBED_DIM), dtype=jnp.float32) * 0.05
    return {"customer_id": customer_id, "user_embedding_table": user_embedding_table}

def reference(customer_id, user_embedding_table):
    # UserModel.call: StringLookup (pre-resolved to integer ids here) -> Embedding -> concat axis=1 of single tensor
    emb = jnp.take(user_embedding_table, customer_id, axis=0)  # [B, 32]
    out = jnp.concatenate([emb], axis=1)
    return out

if __name__ == "__main__":
    import jax
    _d = setup_inputs()
    print(jax.jit(kernel)(*tuple(_d.values())))

</pallas_src>

<mosaic_0001>
#map = affine_map<(d0, d1) -> (0, 0)>
#map1 = affine_map<(d0, d1) -> (0)>
module attributes {stable_mosaic.version = 14 : i64} {
  func.func @gather_kernel(%arg0: i32, %arg1: i32, %arg2: memref<100001x32xf32, #tpu.memory_space<hbm>>, %arg3: memref<16384xi32, #tpu.memory_space<hbm>>, %arg4: memref<32x16384xf32, #tpu.memory_space<hbm>>, %arg5: memref<512xi32, #tpu.memory_space<vmem>>, %arg6: memref<512x32xf32, #tpu.memory_space<vmem>>, %arg7: memref<32x512xf32, #tpu.memory_space<vmem>>, %arg8: memref<!tpu.dma_semaphore, #tpu.memory_space<semaphore_mem>>) attributes {dimension_semantics = [#tpu.dimension_semantics<core_parallel>, #tpu.dimension_semantics<subcore_parallel>], iteration_bounds = array<i64: 2, 16>, scalar_prefetch = 0 : i64, scratch_operands = 4 : i64, tpu.core_type = #tpu.core_type<sc_vector_subcore>, window_params = [{transform_indices = #map}, {transform_indices = #map1}, {transform_indices = #map}]} {
    %mul3A = arith.constant 2 : i32
    %mul3A_0 = arith.muli %arg1, %mul3A : i32
    %add3A = arith.addi %mul3A_0, %arg0 : i32
    %mul3A_1 = arith.constant 512 : i32
    %mul3A_2 = arith.muli %add3A, %mul3A_1 : i32
    "tpu.region"() ({
      %run_scoped3A = tpu.sem_alloc : memref<!tpu.dma_semaphore, #tpu.memory_space<semaphore_mem>>
      %dma_start3A = tpu.memref_slice %arg3[%mul3A_2] : memref<16384xi32, #tpu.memory_space<hbm>> -> memref<512xi32, #tpu.memory_space<hbm>>
      %dma_start3A_13 = tpu.memref_slice %arg3[%mul3A_2] : memref<16384xi32, #tpu.memory_space<hbm>> -> memref<512xi32, #tpu.memory_space<hbm>>
      tpu.enqueue_dma source(%dma_start3A_13 : memref<512xi32, #tpu.memory_space<hbm>>) target(%arg5 : memref<512xi32, #tpu.memory_space<vmem>>) target_semaphore(%run_scoped3A : memref<!tpu.dma_semaphore, #tpu.memory_space<semaphore_mem>>)
      %dma_wait3A_14 = tpu.memref_slice %arg3[%mul3A_2] : memref<16384xi32, #tpu.memory_space<hbm>> -> memref<512xi32, #tpu.memory_space<hbm>>
      %dma_wait3A_15 = tpu.memref_slice %arg3[%mul3A_2] : memref<16384xi32, #tpu.memory_space<hbm>> -> memref<512xi32, #tpu.memory_space<hbm>>
      tpu.wait_dma2 semaphore(%run_scoped3A : memref<!tpu.dma_semaphore, #tpu.memory_space<semaphore_mem>>) src(%dma_wait3A_15 : memref<512xi32, #tpu.memory_space<hbm>>) dst(%arg5 : memref<512xi32, #tpu.memory_space<vmem>>)
      tpu.yield
    }) : () -> ()
    %iota3A = tpu.iota {dimensions = array<i32: 0>} : vector<16xi32>
    %parallel_loop3A = arith.constant 0 : i32
    %parallel_loop3A_3 = arith.constant 32 : i32
    %parallel_loop3A_4 = arith.constant 1 : i32
    scf.for %parallel_loop3A_13 = %parallel_loop3A to %parallel_loop3A_3 step %parallel_loop3A_4  : i32 {
      %parallel_loop3A_14 = arith.constant 16 : i32
      %parallel_loop3A_15 = arith.muli %parallel_loop3A_13, %parallel_loop3A_14 : i32
      %parallel_loop3A_16 = arith.index_cast %parallel_loop3A_15 : i32 to index
      %parallel_loop3A_17 = tpu.vector_load %arg5[%parallel_loop3A_16] {strides = array<i32>} : memref<512xi32, #tpu.memory_space<vmem>>, vector<16xi32>,
      %parallel_loop3A_18 = arith.constant 0 : i32
      %parallel_loop3A_19 = vector.broadcast %parallel_loop3A_18 : i32 to vector<16xi32>
      %parallel_loop3A_20 = arith.cmpi eq, %iota3A, %parallel_loop3A_19 : vector<16xi32>
      %parallel_loop3A_21 = arith.constant 0 : i32
      %parallel_loop3A_22 = vector.broadcast %parallel_loop3A_21 : i32 to vector<16xi32>
      %parallel_loop3A_23 = arith.select %parallel_loop3A_20, %parallel_loop3A_17, %parallel_loop3A_22 : vector<16xi1>, vector<16xi32>
      %parallel_loop3A_24 = arith.constant true
      %parallel_loop3A_25 = vector.broadcast %parallel_loop3A_24 : i1 to vector<16xi1>
      %parallel_loop3A_26 = arith.constant -2147483648 : i32
      %parallel_loop3A_27 = vector.broadcast %parallel_loop3A_26 : i32 to vector<16xi32>
      %parallel_loop3A_28 = arith.xori %parallel_loop3A_23, %parallel_loop3A_27 : vector<16xi32>
      %parallel_loop3A_29 = tpu.scan <max>, %parallel_loop3A_28 masked %parallel_loop3A_25 : vector<16xi32>, vector<16xi1> -> vector<16xi32>
      %parallel_loop3A_30 = arith.xori %parallel_loop3A_29, %parallel_loop3A_27 : vector<16xi32>
      %parallel_loop3A_31 = vector.extract %parallel_loop3A_30[15] : i32 from vector<16xi32>
      %parallel_loop3A_32 = arith.constant 16 : i32
      %parallel_loop3A_33 = arith.muli %parallel_loop3A_13, %parallel_loop3A_32 : i32
      %parallel_loop3A_34 = arith.constant 0 : i32
      %parallel_loop3A_35 = arith.addi %parallel_loop3A_33, %parallel_loop3A_34 : i32
      %parallel_loop3A_36 = arith.constant 0 : i32
      %parallel_loop3A_37 = tpu.memref_slice %arg6[%parallel_loop3A_35, %parallel_loop3A_36] : memref<512x32xf32, #tpu.memory_space<vmem>> -> memref<1x32xf32, #tpu.memory_space<vmem>>
      %parallel_loop3A_38 = arith.constant 0 : i32
      %parallel_loop3A_39 = tpu.memref_slice %arg2[%parallel_loop3A_31, %parallel_loop3A_38] : memref<100001x32xf32, #tpu.memory_space<hbm>> -> memref<1x32xf32, #tpu.memory_space<hbm>>
      %parallel_loop3A_40 = arith.constant 0 : i32
      %parallel_loop3A_41 = tpu.memref_slice %arg6[%parallel_loop3A_35, %parallel_loop3A_40] : memref<512x32xf32, #tpu.memory_space<vmem>> -> memref<1x32xf32, #tpu.memory_space<vmem>>
      %parallel_loop3A_42 = arith.constant 0 : i32
      %parallel_loop3A_43 = tpu.memref_slice %arg2[%parallel_loop3A_31, %parallel_loop3A_42] : memref<100001x32xf32, #tpu.memory_space<hbm>> -> memref<1x32xf32, #tpu.memory_space<hbm>>
      tpu.enqueue_dma source(%parallel_loop3A_43 : memref<1x32xf32, #tpu.memory_space<hbm>>) target(%parallel_loop3A_41 : memref<1x32xf32, #tpu.memory_space<vmem>>) target_semaphore(%arg8 : memref<!tpu.dma_semaphore, #tpu.memory_space<semaphore_mem>>)
      %parallel_loop3A_44 = arith.constant 1 : i32
      %parallel_loop3A_45 = vector.broadcast %parallel_loop3A_44 : i32 to vector<16xi32>
      %parallel_loop3A_46 = arith.cmpi eq, %iota3A, %parallel_loop3A_45 : vector<16xi32>
      %parallel_loop3A_47 = arith.constant 0 : i32
      %parallel_loop3A_48 = vector.broadcast %parallel_loop3A_47 : i32 to vector<16xi32>
      %parallel_loop3A_49 = arith.select %parallel_loop3A_46, %parallel_loop3A_17, %parallel_loop3A_48 : vector<16xi1>, vector<16xi32>
      %parallel_loop3A_50 = arith.constant true
      %parallel_loop3A_51 = vector.broadcast %parallel_loop3A_50 : i1 to vector<16xi1>
      %parallel_loop3A_52 = arith.constant -2147483648 : i32
      %parallel_loop3A_53 = vector.broadcast %parallel_loop3A_52 : i32 to vector<16xi32>
      %parallel_loop3A_54 = arith.xori %parallel_loop3A_49, %parallel_loop3A_53 : vector<16xi32>
      %parallel_loop3A_55 = tpu.scan <max>, %parallel_loop3A_54 masked %parallel_loop3A_51 : vector<16xi32>, vector<16xi1> -> vector<16xi32>
      %parallel_loop3A_56 = arith.xori %parallel_loop3A_55, %parallel_loop3A_53 : vector<16xi32>
      %parallel_loop3A_57 = vector.extract %parallel_loop3A_56[15] : i32 from vector<16xi32>
      %parallel_loop3A_58 = arith.constant 16 : i32
      %parallel_loop3A_59 = arith.muli %parallel_loop3A_13, %parallel_loop3A_58 : i32
      %parallel_loop3A_60 = arith.constant 1 : i32
      %parallel_loop3A_61 = arith.addi %parallel_loop3A_59, %parallel_loop3A_60 : i32
      %parallel_loop3A_62 = arith.constant 0 : i32
      %parallel_loop3A_63 = tpu.memref_slice %arg6[%parallel_loop3A_61, %parallel_loop3A_62] : memref<512x32xf32, #tpu.memory_space<vmem>> -> memref<1x32xf32, #tpu.memory_space<vmem>>
      %parallel_loop3A_64 = arith.constant 0 : i32
      %parallel_loop3A_65 = tpu.memref_slice %arg2[%parallel_loop3A_57, %parallel_loop3A_64] : memref<100001x32xf32, #tpu.memory_space<hbm>> -> memref<1x32xf32, #tpu.memory_space<hbm>>
      %parallel_loop3A_66 = arith.constant 0 : i32
      %parallel_loop3A_67 = tpu.memref_slice %arg6[%parallel_loop3A_61, %parallel_loop3A_66] : memref<512x32xf32, #tpu.memory_space<vmem>> -> memref<1x32xf32, #tpu.memory_space<vmem>>
      %parallel_loop3A_68 = arith.constant 0 : i32
      %parallel_loop3A_69 = tpu.memref_slice %arg2[%parallel_loop3A_57, %parallel_loop3A_68] : memref<100001x32xf32, #tpu.memory_space<hbm>> -> memref<1x32xf32, #tpu.memory_space<hbm>>
      tpu.enqueue_dma source(%parallel_loop3A_69 : memref<1x32xf32, #tpu.memory_space<hbm>>) target(%parallel_loop3A_67 : memref<1x32xf32, #tpu.memory_space<vmem>>) target_semaphore(%arg8 : memref<!tpu.dma_semaphore, #tpu.memory_space<semaphore_mem>>)
      %parallel_loop3A_70 = arith.constant 2 : i32
      %parallel_loop3A_71 = vector.broadcast %parallel_loop3A_70 : i32 to vector<16xi32>
      %parallel_loop3A_72 = arith.cmpi eq, %iota3A, %parallel_loop3A_71 : vector<16xi32>
      %parallel_loop3A_73 = arith.constant 0 : i32
      %parallel_loop3A_74 = vector.broadcast %parallel_loop3A_73 : i32 to vector<16xi32>
      %parallel_loop3A_75 = arith.select %parallel_loop3A_72, %parallel_loop3A_17, %parallel_loop3A_74 : vector<16xi1>, vector<16xi32>
      %parallel_loop3A_76 = arith.constant true
      %parallel_loop3A_77 = vector.broadcast %parallel_loop3A_76 : i1 to vector<16xi1>
      %parallel_loop3A_78 = arith.constant -2147483648 : i32
      %parallel_loop3A_79 = vector.broadcast %parallel_loop3A_78 : i32 to vector<16xi32>
      %parallel_loop3A_80 = arith.xori %parallel_loop3A_75, %parallel_loop3A_79 : vector<16xi32>
      %parallel_loop3A_81 = tpu.scan <max>, %parallel_loop3A_80 masked %parallel_loop3A_77 : vector<16xi32>, vector<16xi1> -> vector<16xi32>
      %parallel_loop3A_82 = arith.xori %parallel_loop3A_81, %parallel_loop3A_79 : vector<16xi32>
      %parallel_loop3A_83 = vector.extract %parallel_loop3A_82[15] : i32 from vector<16xi32>
      %parallel_loop3A_84 = arith.constant 16 : i32
      %parallel_loop3A_85 = arith.muli %parallel_loop3A_13, %parallel_loop3A_84 : i32
      %parallel_loop3A_86 = arith.constant 2 : i32
      %parallel_loop3A_87 = arith.addi %parallel_loop3A_85, %parallel_loop3A_86 : i32
      %parallel_loop3A_88 = arith.constant 0 : i32
      %parallel_loop3A_89 = tpu.memref_slice %arg6[%parallel_loop3A_87, %parallel_loop3A_88] : memref<512x32xf32, #tpu.memory_space<vmem>> -> memref<1x32xf32, #tpu.memory_space<vmem>>
      %parallel_loop3A_90 = arith.constant 0 : i32
      %parallel_loop3A_91 = tpu.memref_slice %arg2[%parallel_loop3A_83, %parallel_loop3A_90] : memref<100001x32xf32, #tpu.memory_space<hbm>> -> memref<1x32xf32, #tpu.memory_space<hbm>>
      %parallel_loop3A_92 = arith.constant 0 : i32
      %parallel_loop3A_93 = tpu.memref_slice %arg6[%parallel_loop3A_87, %parallel_loop3A_92] : memref<512x32xf32, #tpu.memory_space<vmem>> -> memref<1x32xf32, #tpu.memory_space<vmem>>
      %parallel_loop3A_94 = arith.constant 0 : i32
      %parallel_loop3A_95 = tpu.memref_slice %arg2[%parallel_loop3A_83, %parallel_loop3A_94] : memref<100001x32xf32, #tpu.memory_space<hbm>> -> memref<1x32xf32, #tpu.memory_space<hbm>>
      tpu.enqueue_dma source(%parallel_loop3A_95 : memref<1x32xf32, #tpu.memory_space<hbm>>) target(%parallel_loop3A_93 : memref<1x32xf32, #tpu.memory_space<vmem>>) target_semaphore(%arg8 : memref<!tpu.dma_semaphore, #tpu.memory_space<semaphore_mem>>)
      %parallel_loop3A_96 = arith.constant 3 : i32
      %parallel_loop3A_97 = vector.broadcast %parallel_loop3A_96 : i32 to vector<16xi32>
      %parallel_loop3A_98 = arith.cmpi eq, %iota3A, %parallel_loop3A_97 : vector<16xi32>
      %parallel_loop3A_99 = arith.constant 0 : i32
      %parallel_loop3A_100 = vector.broadcast %parallel_loop3A_99 : i32 to vector<16xi32>
      %parallel_loop3A_101 = arith.select %parallel_loop3A_98, %parallel_loop3A_17, %parallel_loop3A_100 : vector<16xi1>, vector<16xi32>
      %parallel_loop3A_102 = arith.constant true
      %parallel_loop3A_103 = vector.broadcast %parallel_loop3A_102 : i1 to vector<16xi1>
      %parallel_loop3A_104 = arith.constant -2147483648 : i32
      %parallel_loop3A_105 = vector.broadcast %parallel_loop3A_104 : i32 to vector<16xi32>
      %parallel_loop3A_106 = arith.xori %parallel_loop3A_101, %parallel_loop3A_105 : vector<16xi32>
      %parallel_loop3A_107 = tpu.scan <max>, %parallel_loop3A_106 masked %parallel_loop3A_103 : vector<16xi32>, vector<16xi1> -> vector<16xi32>
      %parallel_loop3A_108 = arith.xori %parallel_loop3A_107, %parallel_loop3A_105 : vector<16xi32>
      %parallel_loop3A_109 = vector.extract %parallel_loop3A_108[15] : i32 from vector<16xi32>
      %parallel_loop3A_110 = arith.constant 16 : i32
      %parallel_loop3A_111 = arith.muli %parallel_loop3A_13, %parallel_loop3A_110 : i32
      %parallel_loop3A_112 = arith.constant 3 : i32
      %parallel_loop3A_113 = arith.addi %parallel_loop3A_111, %parallel_loop3A_112 : i32
      %parallel_loop3A_114 = arith.constant 0 : i32
      %parallel_loop3A_115 = tpu.memref_slice %arg6[%parallel_loop3A_113, %parallel_loop3A_114] : memref<512x32xf32, #tpu.memory_space<vmem>> -> memref<1x32xf32, #tpu.memory_space<vmem>>
      %parallel_loop3A_116 = arith.constant 0 : i32
      %parallel_loop3A_117 = tpu.memref_slice %arg2[%parallel_loop3A_109, %parallel_loop3A_116] : memref<100001x32xf32, #tpu.memory_space<hbm>> -> memref<1x32xf32, #tpu.memory_space<hbm>>
      %parallel_loop3A_118 = arith.constant 0 : i32
      %parallel_loop3A_119 = tpu.memref_slice %arg6[%parallel_loop3A_113, %parallel_loop3A_118] : memref<512x32xf32, #tpu.memory_space<vmem>> -> memref<1x32xf32, #tpu.memory_space<vmem>>
      %parallel_loop3A_120 = arith.constant 0 : i32
      %parallel_loop3A_121 = tpu.memref_slice %arg2[%parallel_loop3A_109, %parallel_loop3A_120] : memref<100001x32xf32, #tpu.memory_space<hbm>> -> memref<1x32xf32, #tpu.memory_space<hbm>>
      tpu.enqueue_dma source(%parallel_loop3A_121 : memref<1x32xf32, #tpu.memory_space<hbm>>) target(%parallel_loop3A_119 : memref<1x32xf32, #tpu.memory_space<vmem>>) target_semaphore(%arg8 : memref<!tpu.dma_semaphore, #tpu.memory_space<semaphore_mem>>)
      %parallel_loop3A_122 = arith.constant 4 : i32
      %parallel_loop3A_123 = vector.broadcast %parallel_loop3A_122 : i32 to vector<16xi32>
      %parallel_loop3A_124 = arith.cmpi eq, %iota3A, %parallel_loop3A_123 : vector<16xi32>
      %parallel_loop3A_125 = arith.constant 0 : i32
      %parallel_loop3A_126 = vector.broadcast %parallel_loop3A_125 : i32 to vector<16xi32>
      %parallel_loop3A_127 = arith.select %parallel_loop3A_124, %parallel_loop3A_17, %parallel_loop3A_126 : vector<16xi1>, vector<16xi32>
      %parallel_loop3A_128 = arith.constant true
      %parallel_loop3A_129 = vector.broadcast %parallel_loop3A_128 : i1 to vector<16xi1>
      %parallel_loop3A_130 = arith.constant -2147483648 : i32
      %parallel_loop3A_131 = vector.broadcast %parallel_loop3A_130 : i32 to vector<16xi32>
      %parallel_loop3A_132 = arith.xori %parallel_loop3A_127, %parallel_loop3A_131 : vector<16xi32>
      %parallel_loop3A_133 = tpu.scan <max>, %parallel_loop3A_132 masked %parallel_loop3A_129 : vector<16xi32>, vector<16xi1> -> vector<16xi32>
      %parallel_loop3A_134 = arith.xori %parallel_loop3A_133, %parallel_loop3A_131 : vector<16xi32>
      %parallel_loop3A_135 = vector.extract %parallel_loop3A_134[15] : i32 from vector<16xi32>
      %parallel_loop3A_136 = arith.constant 16 : i32
      %parallel_loop3A_137 = arith.muli %parallel_loop3A_13, %parallel_loop3A_136 : i32
      %parallel_loop3A_138 = arith.constant 4 : i32
      %parallel_loop3A_139 = arith.addi %parallel_loop3A_137, %parallel_loop3A_138 : i32
      %parallel_loop3A_140 = arith.constant 0 : i32
      %parallel_loop3A_141 = tpu.memref_slice %arg6[%parallel_loop3A_139, %parallel_loop3A_140] : memref<512x32xf32, #tpu.memory_space<vmem>> -> memref<1x32xf32, #tpu.memory_space<vmem>>
      %parallel_loop3A_142 = arith.constant 0 : i32
      %parallel_loop3A_143 = tpu.memref_slice %arg2[%parallel_loop3A_135, %parallel_loop3A_142] : memref<100001x32xf32, #tpu.memory_space<hbm>> -> memref<1x32xf32, #tpu.memory_space<hbm>>
      %parallel_loop3A_144 = arith.constant 0 : i32
      %parallel_loop3A_145 = tpu.memref_slice %arg6[%parallel_loop3A_139, %parallel_loop3A_144] : memref<512x32xf32, #tpu.memory_space<vmem>> -> memref<1x32xf32, #tpu.memory_space<vmem>>
      %parallel_loop3A_146 = arith.constant 0 : i32
      %parallel_loop3A_147 = tpu.memref_slice %arg2[%parallel_loop3A_135, %parallel_loop3A_146] : memref<100001x32xf32, #tpu.memory_space<hbm>> -> memref<1x32xf32, #tpu.memory_space<hbm>>
      tpu.enqueue_dma source(%parallel_loop3A_147 : memref<1x32xf32, #tpu.memory_space<hbm>>) target(%parallel_loop3A_145 : memref<1x32xf32, #tpu.memory_space<vmem>>) target_semaphore(%arg8 : memref<!tpu.dma_semaphore, #tpu.memory_space<semaphore_mem>>)
      %parallel_loop3A_148 = arith.constant 5 : i32
      %parallel_loop3A_149 = vector.broadcast %parallel_loop3A_148 : i32 to vector<16xi32>
      %parallel_loop3A_150 = arith.cmpi eq, %iota3A, %parallel_loop3A_149 : vector<16xi32>
      %parallel_loop3A_151 = arith.constant 0 : i32
      %parallel_loop3A_152 = vector.broadcast %parallel_loop3A_151 : i32 to vector<16xi32>
      %parallel_loop3A_153 = arith.select %parallel_loop3A_150, %parallel_loop3A_17, %parallel_loop3A_152 : vector<16xi1>, vector<16xi32>
      %parallel_loop3A_154 = arith.constant true
      %parallel_loop3A_155 = vector.broadcast %parallel_loop3A_154 : i1 to vector<16xi1>
      %parallel_loop3A_156 = arith.constant -2147483648 : i32
      %parallel_loop3A_157 = vector.broadcast %parallel_loop3A_156 : i32 to vector<16xi32>
      %parallel_loop3A_158 = arith.xori %parallel_loop3A_153, %parallel_loop3A_157 : vector<16xi32>
      %parallel_loop3A_159 = tpu.scan <max>, %parallel_loop3A_158 masked %parallel_loop3A_155 : vector<16xi32>, vector<16xi1> -> vector<16xi32>
      %parallel_loop3A_160 = arith.xori %parallel_loop3A_159, %parallel_loop3A_157 : vector<16xi32>
      %parallel_loop3A_161 = vector.extract %parallel_loop3A_160[15] : i32 from vector<16xi32>
      %parallel_loop3A_162 = arith.constant 16 : i32
      %parallel_loop3A_163 = arith.muli %parallel_loop3A_13, %parallel_loop3A_162 : i32
      %parallel_loop3A_164 = arith.constant 5 : i32
      %parallel_loop3A_165 = arith.addi %parallel_loop3A_163, %parallel_loop3A_164 : i32
      %parallel_loop3A_166 = arith.constant 0 : i32
      %parallel_loop3A_167 = tpu.memref_slice %arg6[%parallel_loop3A_165, %parallel_loop3A_166] : memref<512x32xf32, #tpu.memory_space<vmem>> -> memref<1x32xf32, #tpu.memory_space<vmem>>
      %parallel_loop3A_168 = arith.constant 0 : i32
      %parallel_loop3A_169 = tpu.memref_slice %arg2[%parallel_loop3A_161, %parallel_loop3A_168] : memref<100001x32xf32, #tpu.memory_space<hbm>> -> memref<1x32xf32, #tpu.memory_space<hbm>>
      %parallel_loop3A_170 = arith.constant 0 : i32
      %parallel_loop3A_171 = tpu.memref_slice %arg6[%parallel_loop3A_165, %parallel_loop3A_170] : memref<512x32xf32, #tpu.memory_space<vmem>> -> memref<1x32xf32, #tpu.memory_space<vmem>>
      %parallel_loop3A_172 = arith.constant 0 : i32
      %parallel_loop3A_173 = tpu.memref_slice %arg2[%parallel_loop3A_161, %parallel_loop3A_172] : memref<100001x32xf32, #tpu.memory_space<hbm>> -> memref<1x32xf32, #tpu.memory_space<hbm>>
      tpu.enqueue_dma source(%parallel_loop3A_173 : memref<1x32xf32, #tpu.memory_space<hbm>>) target(%parallel_loop3A_171 : memref<1x32xf32, #tpu.memory_space<vmem>>) target_semaphore(%arg8 : memref<!tpu.dma_semaphore, #tpu.memory_space<semaphore_mem>>)
      %parallel_loop3A_174 = arith.constant 6 : i32
      %parallel_loop3A_175 = vector.broadcast %parallel_loop3A_174 : i32 to vector<16xi32>
      %parallel_loop3A_176 = arith.cmpi eq, %iota3A, %parallel_loop3A_175 : vector<16xi32>
      %parallel_loop3A_177 = arith.constant 0 : i32
      %parallel_loop3A_178 = vector.broadcast %parallel_loop3A_177 : i32 to vector<16xi32>
      %parallel_loop3A_179 = arith.select %parallel_loop3A_176, %parallel_loop3A_17, %parallel_loop3A_178 : vector<16xi1>, vector<16xi32>
      %parallel_loop3A_180 = arith.constant true
      %parallel_loop3A_181 = vector.broadcast %parallel_loop3A_180 : i1 to vector<16xi1>
      %parallel_loop3A_182 = arith.constant -2147483648 : i32
      %parallel_loop3A_183 = vector.broadcast %parallel_loop3A_182 : i32 to vector<16xi32>
      %parallel_loop3A_184 = arith.xori %parallel_loop3A_179, %parallel_loop3A_183 : vector<16xi32>
      %parallel_loop3A_185 = tpu.scan <max>, %parallel_loop3A_184 masked %parallel_loop3A_181 : vector<16xi32>, vector<16xi1> -> vector<16xi32>
      %parallel_loop3A_186 = arith.xori %parallel_loop3A_185, %parallel_loop3A_183 : vector<16xi32>
      %parallel_loop3A_187 = vector.extract %parallel_loop3A_186[15] : i32 from vector<16xi32>
      %parallel_loop3A_188 = arith.constant 16 : i32
      %parallel_loop3A_189 = arith.muli %parallel_loop3A_13, %parallel_loop3A_188 : i32
      %parallel_loop3A_190 = arith.constant 6 : i32
      %parallel_loop3A_191 = arith.addi %parallel_loop3A_189, %parallel_loop3A_190 : i32
      %parallel_loop3A_192 = arith.constant 0 : i32
      %parallel_loop3A_193 = tpu.memref_slice %arg6[%parallel_loop3A_191, %parallel_loop3A_192] : memref<512x32xf32, #tpu.memory_space<vmem>> -> memref<1x32xf32, #tpu.memory_space<vmem>>
      %parallel_loop3A_194 = arith.constant 0 : i32
      %parallel_loop3A_195 = tpu.memref_slice %arg2[%parallel_loop3A_187, %parallel_loop3A_194] : memref<100001x32xf32, #tpu.memory_space<hbm>> -> memref<1x32xf32, #tpu.memory_space<hbm>>
      %parallel_loop3A_196 = arith.constant 0 : i32
      %parallel_loop3A_197 = tpu.memref_slice %arg6[%parallel_loop3A_191, %parallel_loop3A_196] : memref<512x32xf32, #tpu.memory_space<vmem>> -> memref<1x32xf32, #tpu.memory_space<vmem>>
      %parallel_loop3A_198 = arith.constant 0 : i32
      %parallel_loop3A_199 = tpu.memref_slice %arg2[%parallel_loop3A_187, %parallel_loop3A_198] : memref<100001x32xf32, #tpu.memory_space<hbm>> -> memref<1x32xf32, #tpu.memory_space<hbm>>
      tpu.enqueue_dma source(%parallel_loop3A_199 : memref<1x32xf32, #tpu.memory_space<hbm>>) target(%parallel_loop3A_197 : memref<1x32xf32, #tpu.memory_space<vmem>>) target_semaphore(%arg8 : memref<!tpu.dma_semaphore, #tpu.memory_space<semaphore_mem>>)
      %parallel_loop3A_200 = arith.constant 7 : i32
      %parallel_loop3A_201 = vector.broadcast %parallel_loop3A_200 : i32 to vector<16xi32>
      %parallel_loop3A_202 = arith.cmpi eq, %iota3A, %parallel_loop3A_201 : vector<16xi32>
      %parallel_loop3A_203 = arith.constant 0 : i32
      %parallel_loop3A_204 = vector.broadcast %parallel_loop3A_203 : i32 to vector<16xi32>
      %parallel_loop3A_205 = arith.select %parallel_loop3A_202, %parallel_loop3A_17, %parallel_loop3A_204 : vector<16xi1>, vector<16xi32>
      %parallel_loop3A_206 = arith.constant true
      %parallel_loop3A_207 = vector.broadcast %parallel_loop3A_206 : i1 to vector<16xi1>
      %parallel_loop3A_208 = arith.constant -2147483648 : i32
      %parallel_loop3A_209 = vector.broadcast %parallel_loop3A_208 : i32 to vector<16xi32>
      %parallel_loop3A_210 = arith.xori %parallel_loop3A_205, %parallel_loop3A_209 : vector<16xi32>
      %parallel_loop3A_211 = tpu.scan <max>, %parallel_loop3A_210 masked %parallel_loop3A_207 : vector<16xi32>, vector<16xi1> -> vector<16xi32>
      %parallel_loop3A_212 = arith.xori %parallel_loop3A_211, %parallel_loop3A_209 : vector<16xi32>
      %parallel_loop3A_213 = vector.extract %parallel_loop3A_212[15] : i32 from vector<16xi32>
      %parallel_loop3A_214 = arith.constant 16 : i32
      %parallel_loop3A_215 = arith.muli %parallel_loop3A_13, %parallel_loop3A_214 : i32
      %parallel_loop3A_216 = arith.constant 7 : i32
      %parallel_loop3A_217 = arith.addi %parallel_loop3A_215, %parallel_loop3A_216 : i32
      %parallel_loop3A_218 = arith.constant 0 : i32
      %parallel_loop3A_219 = tpu.memref_slice %arg6[%parallel_loop3A_217, %parallel_loop3A_218] : memref<512x32xf32, #tpu.memory_space<vmem>> -> memref<1x32xf32, #tpu.memory_space<vmem>>
      %parallel_loop3A_220 = arith.constant 0 : i32
      %parallel_loop3A_221 = tpu.memref_slice %arg2[%parallel_loop3A_213, %parallel_loop3A_220] : memref<100001x32xf32, #tpu.memory_space<hbm>> -> memref<1x32xf32, #tpu.memory_space<hbm>>
      %parallel_loop3A_222 = arith.constant 0 : i32
      %parallel_loop3A_223 = tpu.memref_slice %arg6[%parallel_loop3A_217, %parallel_loop3A_222] : memref<512x32xf32, #tpu.memory_space<vmem>> -> memref<1x32xf32, #tpu.memory_space<vmem>>
      %parallel_loop3A_224 = arith.constant 0 : i32
      %parallel_loop3A_225 = tpu.memref_slice %arg2[%parallel_loop3A_213, %parallel_loop3A_224] : memref<100001x32xf32, #tpu.memory_space<hbm>> -> memref<1x32xf32, #tpu.memory_space<hbm>>
      tpu.enqueue_dma source(%parallel_loop3A_225 : memref<1x32xf32, #tpu.memory_space<hbm>>) target(%parallel_loop3A_223 : memref<1x32xf32, #tpu.memory_space<vmem>>) target_semaphore(%arg8 : memref<!tpu.dma_semaphore, #tpu.memory_space<semaphore_mem>>)
      %parallel_loop3A_226 = arith.constant 8 : i32
      %parallel_loop3A_227 = vector.broadcast %parallel_loop3A_226 : i32 to vector<16xi32>
      %parallel_loop3A_228 = arith.cmpi eq, %iota3A, %parallel_loop3A_227 : vector<16xi32>
      %parallel_loop3A_229 = arith.constant 0 : i32
      %parallel_loop3A_230 = vector.broadcast %parallel_loop3A_229 : i32 to vector<16xi32>
      %parallel_loop3A_231 = arith.select %parallel_loop3A_228, %parallel_loop3A_17, %parallel_loop3A_230 : vector<16xi1>, vector<16xi32>
      %parallel_loop3A_232 = arith.constant true
      %parallel_loop3A_233 = vector.broadcast %parallel_loop3A_232 : i1 to vector<16xi1>
      %parallel_loop3A_234 = arith.constant -2147483648 : i32
      %parallel_loop3A_235 = vector.broadcast %parallel_loop3A_234 : i32 to vector<16xi32>
      %parallel_loop3A_236 = arith.xori %parallel_loop3A_231, %parallel_loop3A_235 : vector<16xi32>
      %parallel_loop3A_237 = tpu.scan <max>, %parallel_loop3A_236 masked %parallel_loop3A_233 : vector<16xi32>, vector<16xi1> -> vector<16xi32>
      %parallel_loop3A_238 = arith.xori %parallel_loop3A_237, %parallel_loop3A_235 : vector<16xi32>
      %parallel_loop3A_239 = vector.extract %parallel_loop3A_238[15] : i32 from vector<16xi32>
      %parallel_loop3A_240 = arith.constant 16 : i32
      %parallel_loop3A_241 = arith.muli %parallel_loop3A_13, %parallel_loop3A_240 : i32
      %parallel_loop3A_242 = arith.constant 8 : i32
      %parallel_loop3A_243 = arith.addi %parallel_loop3A_241, %parallel_loop3A_242 : i32
      %parallel_loop3A_244 = arith.constant 0 : i32
      %parallel_loop3A_245 = tpu.memref_slice %arg6[%parallel_loop3A_243, %parallel_loop3A_244] : memref<512x32xf32, #tpu.memory_space<vmem>> -> memref<1x32xf32, #tpu.memory_space<vmem>>
      %parallel_loop3A_246 = arith.constant 0 : i32
      %parallel_loop3A_247 = tpu.memref_slice %arg2[%parallel_loop3A_239, %parallel_loop3A_246] : memref<100001x32xf32, #tpu.memory_space<hbm>> -> memref<1x32xf32, #tpu.memory_space<hbm>>
      %parallel_loop3A_248 = arith.constant 0 : i32
      %parallel_loop3A_249 = tpu.memref_slice %arg6[%parallel_loop3A_243, %parallel_loop3A_248] : memref<512x32xf32, #tpu.memory_space<vmem>> -> memref<1x32xf32, #tpu.memory_space<vmem>>
      %parallel_loop3A_250 = arith.constant 0 : i32
      %parallel_loop3A_251 = tpu.memref_slice %arg2[%parallel_loop3A_239, %parallel_loop3A_250] : memref<100001x32xf32, #tpu.memory_space<hbm>> -> memref<1x32xf32, #tpu.memory_space<hbm>>
      tpu.enqueue_dma source(%parallel_loop3A_251 : memref<1x32xf32, #tpu.memory_space<hbm>>) target(%parallel_loop3A_249 : memref<1x32xf32, #tpu.memory_space<vmem>>) target_semaphore(%arg8 : memref<!tpu.dma_semaphore, #tpu.memory_space<semaphore_mem>>)
      %parallel_loop3A_252 = arith.constant 9 : i32
      %parallel_loop3A_253 = vector.broadcast %parallel_loop3A_252 : i32 to vector<16xi32>
      %parallel_loop3A_254 = arith.cmpi eq, %iota3A, %parallel_loop3A_253 : vector<16xi32>
      %parallel_loop3A_255 = arith.constant 0 : i32
      %parallel_loop3A_256 = vector.broadcast %parallel_loop3A_255 : i32 to vector<16xi32>
      %parallel_loop3A_257 = arith.select %parallel_loop3A_254, %parallel_loop3A_17, %parallel_loop3A_256 : vector<16xi1>, vector<16xi32>
      %parallel_loop3A_258 = arith.constant true
      %parallel_loop3A_259 = vector.broadcast %parallel_loop3A_258 : i1 to vector<16xi1>
      %parallel_loop3A_260 = arith.constant -2147483648 : i32
      %parallel_loop3A_261 = vector.broadcast %parallel_loop3A_260 : i32 to vector<16xi32>
      %parallel_loop3A_262 = arith.xori %parallel_loop3A_257, %parallel_loop3A_261 : vector<16xi32>
      %parallel_loop3A_263 = tpu.scan <max>, %parallel_loop3A_262 masked %parallel_loop3A_259 : vector<16xi32>, vector<16xi1> -> vector<16xi32>
      %parallel_loop3A_264 = arith.xori %parallel_loop3A_263, %parallel_loop3A_261 : vector<16xi32>
      %parallel_loop3A_265 = vector.extract %parallel_loop3A_264[15] : i32 from vector<16xi32>
      %parallel_loop3A_266 = arith.constant 16 : i32
      %parallel_loop3A_267 = arith.muli %parallel_loop3A_13, %parallel_loop3A_266 : i32
      %parallel_loop3A_268 = arith.constant 9 : i32
      %parallel_loop3A_269 = arith.addi %parallel_loop3A_267, %parallel_loop3A_268 : i32
      %parallel_loop3A_270 = arith.constant 0 : i32
      %parallel_loop3A_271 = tpu.memref_slice %arg6[%parallel_loop3A_269, %parallel_loop3A_270] : memref<512x32xf32, #tpu.memory_space<vmem>> -> memref<1x32xf32, #tpu.memory_space<vmem>>
      %parallel_loop3A_272 = arith.constant 0 : i32
      %parallel_loop3A_273 = tpu.memref_slice %arg2[%parallel_loop3A_265, %parallel_loop3A_272] : memref<100001x32xf32, #tpu.memory_space<hbm>> -> memref<1x32xf32, #tpu.memory_space<hbm>>
      %parallel_loop3A_274 = arith.constant 0 : i32
      %parallel_loop3A_275 = tpu.memref_slice %arg6[%parallel_loop3A_269, %parallel_loop3A_274] : memref<512x32xf32, #tpu.memory_space<vmem>> -> memref<1x32xf32, #tpu.memory_space<vmem>>
      %parallel_loop3A_276 = arith.constant 0 : i32
      %parallel_loop3A_277 = tpu.memref_slice %arg2[%parallel_loop3A_265, %parallel_loop3A_276] : memref<100001x32xf32, #tpu.memory_space<hbm>> -> memref<1x32xf32, #tpu.memory_space<hbm>>
      tpu.enqueue_dma source(%parallel_loop3A_277 : memref<1x32xf32, #tpu.memory_space<hbm>>) target(%parallel_loop3A_275 : memref<1x32xf32, #tpu.memory_space<vmem>>) target_semaphore(%arg8 : memref<!tpu.dma_semaphore, #tpu.memory_space<semaphore_mem>>)
      %parallel_loop3A_278 = arith.constant 10 : i32
      %parallel_loop3A_279 = vector.broadcast %parallel_loop3A_278 : i32 to vector<16xi32>
      %parallel_loop3A_280 = arith.cmpi eq, %iota3A, %parallel_loop3A_279 : vector<16xi32>
      %parallel_loop3A_281 = arith.constant 0 : i32
      %parallel_loop3A_282 = vector.broadcast %parallel_loop3A_281 : i32 to vector<16xi32>
      %parallel_loop3A_283 = arith.select %parallel_loop3A_280, %parallel_loop3A_17, %parallel_loop3A_282 : vector<16xi1>, vector<16xi32>
      %parallel_loop3A_284 = arith.constant true
      %parallel_loop3A_285 = vector.broadcast %parallel_loop3A_284 : i1 to vector<16xi1>
      %parallel_loop3A_286 = arith.constant -2147483648 : i32
      %parallel_loop3A_287 = vector.broadcast %parallel_loop3A_286 : i32 to vector<16xi32>
      %parallel_loop3A_288 = arith.xori %parallel_loop3A_283, %parallel_loop3A_287 : vector<16xi32>
      %parallel_loop3A_289 = tpu.scan <max>, %parallel_loop3A_288 masked %parallel_loop3A_285 : vector<16xi32>, vector<16xi1> -> vector<16xi32>
      %parallel_loop3A_290 = arith.xori %parallel_loop3A_289, %parallel_loop3A_287 : vector<16xi32>
      %parallel_loop3A_291 = vector.extract %parallel_loop3A_290[15] : i32 from vector<16xi32>
      %parallel_loop3A_292 = arith.constant 16 : i32
      %parallel_loop3A_293 = arith.muli %parallel_loop3A_13, %parallel_loop3A_292 : i32
      %parallel_loop3A_294 = arith.constant 10 : i32
      %parallel_loop3A_295 = arith.addi %parallel_loop3A_293, %parallel_loop3A_294 : i32
      %parallel_loop3A_296 = arith.constant 0 : i32
      %parallel_loop3A_297 = tpu.memref_slice %arg6[%parallel_loop3A_295, %parallel_loop3A_296] : memref<512x32xf32, #tpu.memory_space<vmem>> -> memref<1x32xf32, #tpu.memory_space<vmem>>
      %parallel_loop3A_298 = arith.constant 0 : i32
      %parallel_loop3A_299 = tpu.memref_slice %arg2[%parallel_loop3A_291, %parallel_loop3A_298] : memref<100001x32xf32, #tpu.memory_space<hbm>> -> memref<1x32xf32, #tpu.memory_space<hbm>>
      %parallel_loop3A_300 = arith.constant 0 : i32
      %parallel_loop3A_301 = tpu.memref_slice %arg6[%parallel_loop3A_295, %parallel_loop3A_300] : memref<512x32xf32, #tpu.memory_space<vmem>> -> memref<1x32xf32, #tpu.memory_space<vmem>>
      %parallel_loop3A_302 = arith.constant 0 : i32
      %parallel_loop3A_303 = tpu.memref_slice %arg2[%parallel_loop3A_291, %parallel_loop3A_302] : memref<100001x32xf32, #tpu.memory_space<hbm>> -> memref<1x32xf32, #tpu.memory_space<hbm>>
      tpu.enqueue_dma source(%parallel_loop3A_303 : memref<1x32xf32, #tpu.memory_space<hbm>>) target(%parallel_loop3A_301 : memref<1x32xf32, #tpu.memory_space<vmem>>) target_semaphore(%arg8 : memref<!tpu.dma_semaphore, #tpu.memory_space<semaphore_mem>>)
      %parallel_loop3A_304 = arith.constant 11 : i32
      %parallel_loop3A_305 = vector.broadcast %parallel_loop3A_304 : i32 to vector<16xi32>
      %parallel_loop3A_306 = arith.cmpi eq, %iota3A, %parallel_loop3A_305 : vector<16xi32>
      %parallel_loop3A_307 = arith.constant 0 : i32
      %parallel_loop3A_308 = vector.broadcast %parallel_loop3A_307 : i32 to vector<16xi32>
      %parallel_loop3A_309 = arith.select %parallel_loop3A_306, %parallel_loop3A_17, %parallel_loop3A_308 : vector<16xi1>, vector<16xi32>
      %parallel_loop3A_310 = arith.constant true
      %parallel_loop3A_311 = vector.broadcast %parallel_loop3A_310 : i1 to vector<16xi1>
      %parallel_loop3A_312 = arith.constant -2147483648 : i32
      %parallel_loop3A_313 = vector.broadcast %parallel_loop3A_312 : i32 to vector<16xi32>
      %parallel_loop3A_314 = arith.xori %parallel_loop3A_309, %parallel_loop3A_313 : vector<16xi32>
      %parallel_loop3A_315 = tpu.scan <max>, %parallel_loop3A_314 masked %parallel_loop3A_311 : vector<16xi32>, vector<16xi1> -> vector<16xi32>
      %parallel_loop3A_316 = arith.xori %parallel_loop3A_315, %parallel_loop3A_313 : vector<16xi32>
      %parallel_loop3A_317 = vector.extract %parallel_loop3A_316[15] : i32 from vector<16xi32>
      %parallel_loop3A_318 = arith.constant 16 : i32
      %parallel_loop3A_319 = arith.muli %parallel_loop3A_13, %parallel_loop3A_318 : i32
      %parallel_loop3A_320 = arith.constant 11 : i32
      %parallel_loop3A_321 = arith.addi %parallel_loop3A_319, %parallel_loop3A_320 : i32
      %parallel_loop3A_322 = arith.constant 0 : i32
      %parallel_loop3A_323 = tpu.memref_slice %arg6[%parallel_loop3A_321, %parallel_loop3A_322] : memref<512x32xf32, #tpu.memory_space<vmem>> -> memref<1x32xf32, #tpu.memory_space<vmem>>
      %parallel_loop3A_324 = arith.constant 0 : i32
      %parallel_loop3A_325 = tpu.memref_slice %arg2[%parallel_loop3A_317, %parallel_loop3A_324] : memref<100001x32xf32, #tpu.memory_space<hbm>> -> memref<1x32xf32, #tpu.memory_space<hbm>>
      %parallel_loop3A_326 = arith.constant 0 : i32
      %parallel_loop3A_327 = tpu.memref_slice %arg6[%parallel_loop3A_321, %parallel_loop3A_326] : memref<512x32xf32, #tpu.memory_space<vmem>> -> memref<1x32xf32, #tpu.memory_space<vmem>>
      %parallel_loop3A_328 = arith.constant 0 : i32
      %parallel_loop3A_329 = tpu.memref_slice %arg2[%parallel_loop3A_317, %parallel_loop3A_328] : memref<100001x32xf32, #tpu.memory_space<hbm>> -> memref<1x32xf32, #tpu.memory_space<hbm>>
      tpu.enqueue_dma source(%parallel_loop3A_329 : memref<1x32xf32, #tpu.memory_space<hbm>>) target(%parallel_loop3A_327 : memref<1x32xf32, #tpu.memory_space<vmem>>) target_semaphore(%arg8 : memref<!tpu.dma_semaphore, #tpu.memory_space<semaphore_mem>>)
      %parallel_loop3A_330 = arith.constant 12 : i32
      %parallel_loop3A_331 = vector.broadcast %parallel_loop3A_330 : i32 to vector<16xi32>
      %parallel_loop3A_332 = arith.cmpi eq, %iota3A, %parallel_loop3A_331 : vector<16xi32>
      %parallel_loop3A_333 = arith.constant 0 : i32
      %parallel_loop3A_334 = vector.broadcast %parallel_loop3A_333 : i32 to vector<16xi32>
      %parallel_loop3A_335 = arith.select %parallel_loop3A_332, %parallel_loop3A_17, %parallel_loop3A_334 : vector<16xi1>, vector<16xi32>
      %parallel_loop3A_336 = arith.constant true
      %parallel_loop3A_337 = vector.broadcast %parallel_loop3A_336 : i1 to vector<16xi1>
      %parallel_loop3A_338 = arith.constant -2147483648 : i32
      %parallel_loop3A_339 = vector.broadcast %parallel_loop3A_338 : i32 to vector<16xi32>
      %parallel_loop3A_340 = arith.xori %parallel_loop3A_335, %parallel_loop3A_339 : vector<16xi32>
      %parallel_loop3A_341 = tpu.scan <max>, %parallel_loop3A_340 masked %parallel_loop3A_337 : vector<16xi32>, vector<16xi1> -> vector<16xi32>
      %parallel_loop3A_342 = arith.xori %parallel_loop3A_341, %parallel_loop3A_339 : vector<16xi32>
      %parallel_loop3A_343 = vector.extract %parallel_loop3A_342[15] : i32 from vector<16xi32>
      %parallel_loop3A_344 = arith.constant 16 : i32
      %parallel_loop3A_345 = arith.muli %parallel_loop3A_13, %parallel_loop3A_344 : i32
      %parallel_loop3A_346 = arith.constant 12 : i32
      %parallel_loop3A_347 = arith.addi %parallel_loop3A_345, %parallel_loop3A_346 : i32
      %parallel_loop3A_348 = arith.constant 0 : i32
      %parallel_loop3A_349 = tpu.memref_slice %arg6[%parallel_loop3A_347, %parallel_loop3A_348] : memref<512x32xf32, #tpu.memory_space<vmem>> -> memref<1x32xf32, #tpu.memory_space<vmem>>
      %parallel_loop3A_350 = arith.constant 0 : i32
      %parallel_loop3A_351 = tpu.memref_slice %arg2[%parallel_loop3A_343, %parallel_loop3A_350] : memref<100001x32xf32, #tpu.memory_space<hbm>> -> memref<1x32xf32, #tpu.memory_space<hbm>>
      %parallel_loop3A_352 = arith.constant 0 : i32
      %parallel_loop3A_353 = tpu.memref_slice %arg6[%parallel_loop3A_347, %parallel_loop3A_352] : memref<512x32xf32, #tpu.memory_space<vmem>> -> memref<1x32xf32, #tpu.memory_space<vmem>>
      %parallel_loop3A_354 = arith.constant 0 : i32
      %parallel_loop3A_355 = tpu.memref_slice %arg2[%parallel_loop3A_343, %parallel_loop3A_354] : memref<100001x32xf32, #tpu.memory_space<hbm>> -> memref<1x32xf32, #tpu.memory_space<hbm>>
      tpu.enqueue_dma source(%parallel_loop3A_355 : memref<1x32xf32, #tpu.memory_space<hbm>>) target(%parallel_loop3A_353 : memref<1x32xf32, #tpu.memory_space<vmem>>) target_semaphore(%arg8 : memref<!tpu.dma_semaphore, #tpu.memory_space<semaphore_mem>>)
      %parallel_loop3A_356 = arith.constant 13 : i32
      %parallel_loop3A_357 = vector.broadcast %parallel_loop3A_356 : i32 to vector<16xi32>
      %parallel_loop3A_358 = arith.cmpi eq, %iota3A, %parallel_loop3A_357 : vector<16xi32>
      %parallel_loop3A_359 = arith.constant 0 : i32
      %parallel_loop3A_360 = vector.broadcast %parallel_loop3A_359 : i32 to vector<16xi32>
      %parallel_loop3A_361 = arith.select %parallel_loop3A_358, %parallel_loop3A_17, %parallel_loop3A_360 : vector<16xi1>, vector<16xi32>
      %parallel_loop3A_362 = arith.constant true
      %parallel_loop3A_363 = vector.broadcast %parallel_loop3A_362 : i1 to vector<16xi1>
      %parallel_loop3A_364 = arith.constant -2147483648 : i32
      %parallel_loop3A_365 = vector.broadcast %parallel_loop3A_364 : i32 to vector<16xi32>
      %parallel_loop3A_366 = arith.xori %parallel_loop3A_361, %parallel_loop3A_365 : vector<16xi32>
      %parallel_loop3A_367 = tpu.scan <max>, %parallel_loop3A_366 masked %parallel_loop3A_363 : vector<16xi32>, vector<16xi1> -> vector<16xi32>
      %parallel_loop3A_368 = arith.xori %parallel_loop3A_367, %parallel_loop3A_365 : vector<16xi32>
      %parallel_loop3A_369 = vector.extract %parallel_loop3A_368[15] : i32 from vector<16xi32>
      %parallel_loop3A_370 = arith.constant 16 : i32
      %parallel_loop3A_371 = arith.muli %parallel_loop3A_13, %parallel_loop3A_370 : i32
      %parallel_loop3A_372 = arith.constant 13 : i32
      %parallel_loop3A_373 = arith.addi %parallel_loop3A_371, %parallel_loop3A_372 : i32
      %parallel_loop3A_374 = arith.constant 0 : i32
      %parallel_loop3A_375 = tpu.memref_slice %arg6[%parallel_loop3A_373, %parallel_loop3A_374] : memref<512x32xf32, #tpu.memory_space<vmem>> -> memref<1x32xf32, #tpu.memory_space<vmem>>
      %parallel_loop3A_376 = arith.constant 0 : i32
      %parallel_loop3A_377 = tpu.memref_slice %arg2[%parallel_loop3A_369, %parallel_loop3A_376] : memref<100001x32xf32, #tpu.memory_space<hbm>> -> memref<1x32xf32, #tpu.memory_space<hbm>>
      %parallel_loop3A_378 = arith.constant 0 : i32
      %parallel_loop3A_379 = tpu.memref_slice %arg6[%parallel_loop3A_373, %parallel_loop3A_378] : memref<512x32xf32, #tpu.memory_space<vmem>> -> memref<1x32xf32, #tpu.memory_space<vmem>>
      %parallel_loop3A_380 = arith.constant 0 : i32
      %parallel_loop3A_381 = tpu.memref_slice %arg2[%parallel_loop3A_369, %parallel_loop3A_380] : memref<100001x32xf32, #tpu.memory_space<hbm>> -> memref<1x32xf32, #tpu.memory_space<hbm>>
      tpu.enqueue_dma source(%parallel_loop3A_381 : memref<1x32xf32, #tpu.memory_space<hbm>>) target(%parallel_loop3A_379 : memref<1x32xf32, #tpu.memory_space<vmem>>) target_semaphore(%arg8 : memref<!tpu.dma_semaphore, #tpu.memory_space<semaphore_mem>>)
      %parallel_loop3A_382 = arith.constant 14 : i32
      %parallel_loop3A_383 = vector.broadcast %parallel_loop3A_382 : i32 to vector<16xi32>
      %parallel_loop3A_384 = arith.cmpi eq, %iota3A, %parallel_loop3A_383 : vector<16xi32>
      %parallel_loop3A_385 = arith.constant 0 : i32
      %parallel_loop3A_386 = vector.broadcast %parallel_loop3A_385 : i32 to vector<16xi32>
      %parallel_loop3A_387 = arith.select %parallel_loop3A_384, %parallel_loop3A_17, %parallel_loop3A_386 : vector<16xi1>, vector<16xi32>
      %parallel_loop3A_388 = arith.constant true
      %parallel_loop3A_389 = vector.broadcast %parallel_loop3A_388 : i1 to vector<16xi1>
      %parallel_loop3A_390 = arith.constant -2147483648 : i32
      %parallel_loop3A_391 = vector.broadcast %parallel_loop3A_390 : i32 to vector<16xi32>
      %parallel_loop3A_392 = arith.xori %parallel_loop3A_387, %parallel_loop3A_391 : vector<16xi32>
      %parallel_loop3A_393 = tpu.scan <max>, %parallel_loop3A_392 masked %parallel_loop3A_389 : vector<16xi32>, vector<16xi1> -> vector<16xi32>
      %parallel_loop3A_394 = arith.xori %parallel_loop3A_393, %parallel_loop3A_391 : vector<16xi32>
      %parallel_loop3A_395 = vector.extract %parallel_loop3A_394[15] : i32 from vector<16xi32>
      %parallel_loop3A_396 = arith.constant 16 : i32
      %parallel_loop3A_397 = arith.muli %parallel_loop3A_13, %parallel_loop3A_396 : i32
      %parallel_loop3A_398 = arith.constant 14 : i32
      %parallel_loop3A_399 = arith.addi %parallel_loop3A_397, %parallel_loop3A_398 : i32
      %parallel_loop3A_400 = arith.constant 0 : i32
      %parallel_loop3A_401 = tpu.memref_slice %arg6[%parallel_loop3A_399, %parallel_loop3A_400] : memref<512x32xf32, #tpu.memory_space<vmem>> -> memref<1x32xf32, #tpu.memory_space<vmem>>
      %parallel_loop3A_402 = arith.constant 0 : i32
      %parallel_loop3A_403 = tpu.memref_slice %arg2[%parallel_loop3A_395, %parallel_loop3A_402] : memref<100001x32xf32, #tpu.memory_space<hbm>> -> memref<1x32xf32, #tpu.memory_space<hbm>>
      %parallel_loop3A_404 = arith.constant 0 : i32
      %parallel_loop3A_405 = tpu.memref_slice %arg6[%parallel_loop3A_399, %parallel_loop3A_404] : memref<512x32xf32, #tpu.memory_space<vmem>> -> memref<1x32xf32, #tpu.memory_space<vmem>>
      %parallel_loop3A_406 = arith.constant 0 : i32
      %parallel_loop3A_407 = tpu.memref_slice %arg2[%parallel_loop3A_395, %parallel_loop3A_406] : memref<100001x32xf32, #tpu.memory_space<hbm>> -> memref<1x32xf32, #tpu.memory_space<hbm>>
      tpu.enqueue_dma source(%parallel_loop3A_407 : memref<1x32xf32, #tpu.memory_space<hbm>>) target(%parallel_loop3A_405 : memref<1x32xf32, #tpu.memory_space<vmem>>) target_semaphore(%arg8 : memref<!tpu.dma_semaphore, #tpu.memory_space<semaphore_mem>>)
      %parallel_loop3A_408 = arith.constant 15 : i32
      %parallel_loop3A_409 = vector.broadcast %parallel_loop3A_408 : i32 to vector<16xi32>
      %parallel_loop3A_410 = arith.cmpi eq, %iota3A, %parallel_loop3A_409 : vector<16xi32>
      %parallel_loop3A_411 = arith.constant 0 : i32
      %parallel_loop3A_412 = vector.broadcast %parallel_loop3A_411 : i32 to vector<16xi32>
      %parallel_loop3A_413 = arith.select %parallel_loop3A_410, %parallel_loop3A_17, %parallel_loop3A_412 : vector<16xi1>, vector<16xi32>
      %parallel_loop3A_414 = arith.constant true
      %parallel_loop3A_415 = vector.broadcast %parallel_loop3A_414 : i1 to vector<16xi1>
      %parallel_loop3A_416 = arith.constant -2147483648 : i32
      %parallel_loop3A_417 = vector.broadcast %parallel_loop3A_416 : i32 to vector<16xi32>
      %parallel_loop3A_418 = arith.xori %parallel_loop3A_413, %parallel_loop3A_417 : vector<16xi32>
      %parallel_loop3A_419 = tpu.scan <max>, %parallel_loop3A_418 masked %parallel_loop3A_415 : vector<16xi32>, vector<16xi1> -> vector<16xi32>
      %parallel_loop3A_420 = arith.xori %parallel_loop3A_419, %parallel_loop3A_417 : vector<16xi32>
      %parallel_loop3A_421 = vector.extract %parallel_loop3A_420[15] : i32 from vector<16xi32>
      %parallel_loop3A_422 = arith.constant 16 : i32
      %parallel_loop3A_423 = arith.muli %parallel_loop3A_13, %parallel_loop3A_422 : i32
      %parallel_loop3A_424 = arith.constant 15 : i32
      %parallel_loop3A_425 = arith.addi %parallel_loop3A_423, %parallel_loop3A_424 : i32
      %parallel_loop3A_426 = arith.constant 0 : i32
      %parallel_loop3A_427 = tpu.memref_slice %arg6[%parallel_loop3A_425, %parallel_loop3A_426] : memref<512x32xf32, #tpu.memory_space<vmem>> -> memref<1x32xf32, #tpu.memory_space<vmem>>
      %parallel_loop3A_428 = arith.constant 0 : i32
      %parallel_loop3A_429 = tpu.memref_slice %arg2[%parallel_loop3A_421, %parallel_loop3A_428] : memref<100001x32xf32, #tpu.memory_space<hbm>> -> memref<1x32xf32, #tpu.memory_space<hbm>>
      %parallel_loop3A_430 = arith.constant 0 : i32
      %parallel_loop3A_431 = tpu.memref_slice %arg6[%parallel_loop3A_425, %parallel_loop3A_430] : memref<512x32xf32, #tpu.memory_space<vmem>> -> memref<1x32xf32, #tpu.memory_space<vmem>>
      %parallel_loop3A_432 = arith.constant 0 : i32
      %parallel_loop3A_433 = tpu.memref_slice %arg2[%parallel_loop3A_421, %parallel_loop3A_432] : memref<100001x32xf32, #tpu.memory_space<hbm>> -> memref<1x32xf32, #tpu.memory_space<hbm>>
      tpu.enqueue_dma source(%parallel_loop3A_433 : memref<1x32xf32, #tpu.memory_space<hbm>>) target(%parallel_loop3A_431 : memref<1x32xf32, #tpu.memory_space<vmem>>) target_semaphore(%arg8 : memref<!tpu.dma_semaphore, #tpu.memory_space<semaphore_mem>>)
    } {sc.loop_unroll_factor = 1 : i64, sc.parallel_access}
    %dma_wait3A = arith.constant 0 : i32
    %dma_wait3A_5 = arith.constant 0 : i32
    %dma_wait3A_6 = tpu.memref_slice %arg2[%dma_wait3A, %dma_wait3A_5] : memref<100001x32xf32, #tpu.memory_space<hbm>> -> memref<512x32xf32, #tpu.memory_space<hbm>>
    %dma_wait3A_7 = arith.constant 0 : i32
    %dma_wait3A_8 = arith.constant 0 : i32
    %dma_wait3A_9 = tpu.memref_slice %arg2[%dma_wait3A_7, %dma_wait3A_8] : memref<100001x32xf32, #tpu.memory_space<hbm>> -> memref<512x32xf32, #tpu.memory_space<hbm>>
    tpu.wait_dma2 semaphore(%arg8 : memref<!tpu.dma_semaphore, #tpu.memory_space<semaphore_mem>>) src(%dma_wait3A_9 : memref<512x32xf32, #tpu.memory_space<hbm>>) dst(%arg6 : memref<512x32xf32, #tpu.memory_space<vmem>>)
    %parallel_loop3A_10 = arith.constant 0 : i32
    %parallel_loop3A_11 = arith.constant 32 : i32
    %parallel_loop3A_12 = arith.constant 1 : i32
    scf.for %parallel_loop3A_13 = %parallel_loop3A_10 to %parallel_loop3A_11 step %parallel_loop3A_12  : i32 {
      %parallel_loop3A_14 = arith.constant 16 : i32
      %parallel_loop3A_15 = arith.muli %parallel_loop3A_13, %parallel_loop3A_14 : i32
      %parallel_loop3A_16 = vector.broadcast %parallel_loop3A_15 : i32 to vector<16xi32>
      %parallel_loop3A_17 = arith.addi %parallel_loop3A_16, %iota3A : vector<16xi32>
      %parallel_loop3A_18 = arith.constant 0 : i32
      %parallel_loop3A_19 = vector.broadcast %parallel_loop3A_18 : i32 to vector<16xi32>
      %parallel_loop3A_20 = tpu.vector_load_idx %arg6[%parallel_loop3A_17, %parallel_loop3A_19] : memref<512x32xf32, #tpu.memory_space<vmem>>[vector<16xi32>, vector<16xi32>], vector<16xf32>,
      %parallel_loop3A_21 = arith.constant 16 : i32
      %parallel_loop3A_22 = arith.muli %parallel_loop3A_13, %parallel_loop3A_21 : i32
      %parallel_loop3A_23 = arith.constant 0 : i32
      %parallel_loop3A_24 = arith.index_cast %parallel_loop3A_23 : i32 to index
      %parallel_loop3A_25 = arith.index_cast %parallel_loop3A_22 : i32 to index
      %parallel_loop3A_26 = tpu.vector_load %arg7[%parallel_loop3A_24, %parallel_loop3A_25] {strides = array<i32>} : memref<32x512xf32, #tpu.memory_space<vmem>>, vector<16xf32>,
      tpu.vector_store %arg7[%parallel_loop3A_24, %parallel_loop3A_25], %parallel_loop3A_20 {strides = array<i32>} : memref<32x512xf32, #tpu.memory_space<vmem>>, vector<16xf32>,
      %parallel_loop3A_27 = arith.constant 1 : i32
      %parallel_loop3A_28 = vector.broadcast %parallel_loop3A_27 : i32 to vector<16xi32>
      %parallel_loop3A_29 = tpu.vector_load_idx %arg6[%parallel_loop3A_17, %parallel_loop3A_28] : memref<512x32xf32, #tpu.memory_space<vmem>>[vector<16xi32>, vector<16xi32>], vector<16xf32>,
      %parallel_loop3A_30 = arith.constant 16 : i32
      %parallel_loop3A_31 = arith.muli %parallel_loop3A_13, %parallel_loop3A_30 : i32
      %parallel_loop3A_32 = arith.constant 1 : i32
      %parallel_loop3A_33 = arith.index_cast %parallel_loop3A_32 : i32 to index
      %parallel_loop3A_34 = arith.index_cast %parallel_loop3A_31 : i32 to index
      %parallel_loop3A_35 = tpu.vector_load %arg7[%parallel_loop3A_33, %parallel_loop3A_34] {strides = array<i32>} : memref<32x512xf32, #tpu.memory_space<vmem>>, vector<16xf32>,
      tpu.vector_store %arg7[%parallel_loop3A_33, %parallel_loop3A_34], %parallel_loop3A_29 {strides = array<i32>} : memref<32x512xf32, #tpu.memory_space<vmem>>, vector<16xf32>,
      %parallel_loop3A_36 = arith.constant 2 : i32
      %parallel_loop3A_37 = vector.broadcast %parallel_loop3A_36 : i32 to vector<16xi32>
      %parallel_loop3A_38 = tpu.vector_load_idx %arg6[%parallel_loop3A_17, %parallel_loop3A_37] : memref<512x32xf32, #tpu.memory_space<vmem>>[vector<16xi32>, vector<16xi32>], vector<16xf32>,
      %parallel_loop3A_39 = arith.constant 16 : i32
      %parallel_loop3A_40 = arith.muli %parallel_loop3A_13, %parallel_loop3A_39 : i32
      %parallel_loop3A_41 = arith.constant 2 : i32
      %parallel_loop3A_42 = arith.index_cast %parallel_loop3A_41 : i32 to index
      %parallel_loop3A_43 = arith.index_cast %parallel_loop3A_40 : i32 to index
      %parallel_loop3A_44 = tpu.vector_load %arg7[%parallel_loop3A_42, %parallel_loop3A_43] {strides = array<i32>} : memref<32x512xf32, #tpu.memory_space<vmem>>, vector<16xf32>,
      tpu.vector_store %arg7[%parallel_loop3A_42, %parallel_loop3A_43], %parallel_loop3A_38 {strides = array<i32>} : memref<32x512xf32, #tpu.memory_space<vmem>>, vector<16xf32>,
      %parallel_loop3A_45 = arith.constant 3 : i32
      %parallel_loop3A_46 = vector.broadcast %parallel_loop3A_45 : i32 to vector<16xi32>
      %parallel_loop3A_47 = tpu.vector_load_idx %arg6[%parallel_loop3A_17, %parallel_loop3A_46] : memref<512x32xf32, #tpu.memory_space<vmem>>[vector<16xi32>, vector<16xi32>], vector<16xf32>,
      %parallel_loop3A_48 = arith.constant 16 : i32
      %parallel_loop3A_49 = arith.muli %parallel_loop3A_13, %parallel_loop3A_48 : i32
      %parallel_loop3A_50 = arith.constant 3 : i32
      %parallel_loop3A_51 = arith.index_cast %parallel_loop3A_50 : i32 to index
      %parallel_loop3A_52 = arith.index_cast %parallel_loop3A_49 : i32 to index
      %parallel_loop3A_53 = tpu.vector_load %arg7[%parallel_loop3A_51, %parallel_loop3A_52] {strides = array<i32>} : memref<32x512xf32, #tpu.memory_space<vmem>>, vector<16xf32>,
      tpu.vector_store %arg7[%parallel_loop3A_51, %parallel_loop3A_52], %parallel_loop3A_47 {strides = array<i32>} : memref<32x512xf32, #tpu.memory_space<vmem>>, vector<16xf32>,
      %parallel_loop3A_54 = arith.constant 4 : i32
      %parallel_loop3A_55 = vector.broadcast %parallel_loop3A_54 : i32 to vector<16xi32>
      %parallel_loop3A_56 = tpu.vector_load_idx %arg6[%parallel_loop3A_17, %parallel_loop3A_55] : memref<512x32xf32, #tpu.memory_space<vmem>>[vector<16xi32>, vector<16xi32>], vector<16xf32>,
      %parallel_loop3A_57 = arith.constant 16 : i32
      %parallel_loop3A_58 = arith.muli %parallel_loop3A_13, %parallel_loop3A_57 : i32
      %parallel_loop3A_59 = arith.constant 4 : i32
      %parallel_loop3A_60 = arith.index_cast %parallel_loop3A_59 : i32 to index
      %parallel_loop3A_61 = arith.index_cast %parallel_loop3A_58 : i32 to index
      %parallel_loop3A_62 = tpu.vector_load %arg7[%parallel_loop3A_60, %parallel_loop3A_61] {strides = array<i32>} : memref<32x512xf32, #tpu.memory_space<vmem>>, vector<16xf32>,
      tpu.vector_store %arg7[%parallel_loop3A_60, %parallel_loop3A_61], %parallel_loop3A_56 {strides = array<i32>} : memref<32x512xf32, #tpu.memory_space<vmem>>, vector<16xf32>,
      %parallel_loop3A_63 = arith.constant 5 : i32
      %parallel_loop3A_64 = vector.broadcast %parallel_loop3A_63 : i32 to vector<16xi32>
      %parallel_loop3A_65 = tpu.vector_load_idx %arg6[%parallel_loop3A_17, %parallel_loop3A_64] : memref<512x32xf32, #tpu.memory_space<vmem>>[vector<16xi32>, vector<16xi32>], vector<16xf32>,
      %parallel_loop3A_66 = arith.constant 16 : i32
      %parallel_loop3A_67 = arith.muli %parallel_loop3A_13, %parallel_loop3A_66 : i32
      %parallel_loop3A_68 = arith.constant 5 : i32
      %parallel_loop3A_69 = arith.index_cast %parallel_loop3A_68 : i32 to index
      %parallel_loop3A_70 = arith.index_cast %parallel_loop3A_67 : i32 to index
      %parallel_loop3A_71 = tpu.vector_load %arg7[%parallel_loop3A_69, %parallel_loop3A_70] {strides = array<i32>} : memref<32x512xf32, #tpu.memory_space<vmem>>, vector<16xf32>,
      tpu.vector_store %arg7[%parallel_loop3A_69, %parallel_loop3A_70], %parallel_loop3A_65 {strides = array<i32>} : memref<32x512xf32, #tpu.memory_space<vmem>>, vector<16xf32>,
      %parallel_loop3A_72 = arith.constant 6 : i32
      %parallel_loop3A_73 = vector.broadcast %parallel_loop3A_72 : i32 to vector<16xi32>
      %parallel_loop3A_74 = tpu.vector_load_idx %arg6[%parallel_loop3A_17, %parallel_loop3A_73] : memref<512x32xf32, #tpu.memory_space<vmem>>[vector<16xi32>, vector<16xi32>], vector<16xf32>,
      %parallel_loop3A_75 = arith.constant 16 : i32
      %parallel_loop3A_76 = arith.muli %parallel_loop3A_13, %parallel_loop3A_75 : i32
      %parallel_loop3A_77 = arith.constant 6 : i32
      %parallel_loop3A_78 = arith.index_cast %parallel_loop3A_77 : i32 to index
      %parallel_loop3A_79 = arith.index_cast %parallel_loop3A_76 : i32 to index
      %parallel_loop3A_80 = tpu.vector_load %arg7[%parallel_loop3A_78, %parallel_loop3A_79] {strides = array<i32>} : memref<32x512xf32, #tpu.memory_space<vmem>>, vector<16xf32>,
      tpu.vector_store %arg7[%parallel_loop3A_78, %parallel_loop3A_79], %parallel_loop3A_74 {strides = array<i32>} : memref<32x512xf32, #tpu.memory_space<vmem>>, vector<16xf32>,
      %parallel_loop3A_81 = arith.constant 7 : i32
      %parallel_loop3A_82 = vector.broadcast %parallel_loop3A_81 : i32 to vector<16xi32>
      %parallel_loop3A_83 = tpu.vector_load_idx %arg6[%parallel_loop3A_17, %parallel_loop3A_82] : memref<512x32xf32, #tpu.memory_space<vmem>>[vector<16xi32>, vector<16xi32>], vector<16xf32>,
      %parallel_loop3A_84 = arith.constant 16 : i32
      %parallel_loop3A_85 = arith.muli %parallel_loop3A_13, %parallel_loop3A_84 : i32
      %parallel_loop3A_86 = arith.constant 7 : i32
      %parallel_loop3A_87 = arith.index_cast %parallel_loop3A_86 : i32 to index
      %parallel_loop3A_88 = arith.index_cast %parallel_loop3A_85 : i32 to index
      %parallel_loop3A_89 = tpu.vector_load %arg7[%parallel_loop3A_87, %parallel_loop3A_88] {strides = array<i32>} : memref<32x512xf32, #tpu.memory_space<vmem>>, vector<16xf32>,
      tpu.vector_store %arg7[%parallel_loop3A_87, %parallel_loop3A_88], %parallel_loop3A_83 {strides = array<i32>} : memref<32x512xf32, #tpu.memory_space<vmem>>, vector<16xf32>,
      %parallel_loop3A_90 = arith.constant 8 : i32
      %parallel_loop3A_91 = vector.broadcast %parallel_loop3A_90 : i32 to vector<16xi32>
      %parallel_loop3A_92 = tpu.vector_load_idx %arg6[%parallel_loop3A_17, %parallel_loop3A_91] : memref<512x32xf32, #tpu.memory_space<vmem>>[vector<16xi32>, vector<16xi32>], vector<16xf32>,
      %parallel_loop3A_93 = arith.constant 16 : i32
      %parallel_loop3A_94 = arith.muli %parallel_loop3A_13, %parallel_loop3A_93 : i32
      %parallel_loop3A_95 = arith.constant 8 : i32
      %parallel_loop3A_96 = arith.index_cast %parallel_loop3A_95 : i32 to index
      %parallel_loop3A_97 = arith.index_cast %parallel_loop3A_94 : i32 to index
      %parallel_loop3A_98 = tpu.vector_load %arg7[%parallel_loop3A_96, %parallel_loop3A_97] {strides = array<i32>} : memref<32x512xf32, #tpu.memory_space<vmem>>, vector<16xf32>,
      tpu.vector_store %arg7[%parallel_loop3A_96, %parallel_loop3A_97], %parallel_loop3A_92 {strides = array<i32>} : memref<32x512xf32, #tpu.memory_space<vmem>>, vector<16xf32>,
      %parallel_loop3A_99 = arith.constant 9 : i32
      %parallel_loop3A_100 = vector.broadcast %parallel_loop3A_99 : i32 to vector<16xi32>
      %parallel_loop3A_101 = tpu.vector_load_idx %arg6[%parallel_loop3A_17, %parallel_loop3A_100] : memref<512x32xf32, #tpu.memory_space<vmem>>[vector<16xi32>, vector<16xi32>], vector<16xf32>,
      %parallel_loop3A_102 = arith.constant 16 : i32
      %parallel_loop3A_103 = arith.muli %parallel_loop3A_13, %parallel_loop3A_102 : i32
      %parallel_loop3A_104 = arith.constant 9 : i32
      %parallel_loop3A_105 = arith.index_cast %parallel_loop3A_104 : i32 to index
      %parallel_loop3A_106 = arith.index_cast %parallel_loop3A_103 : i32 to index
      %parallel_loop3A_107 = tpu.vector_load %arg7[%parallel_loop3A_105, %parallel_loop3A_106] {strides = array<i32>} : memref<32x512xf32, #tpu.memory_space<vmem>>, vector<16xf32>,
      tpu.vector_store %arg7[%parallel_loop3A_105, %parallel_loop3A_106], %parallel_loop3A_101 {strides = array<i32>} : memref<32x512xf32, #tpu.memory_space<vmem>>, vector<16xf32>,
      %parallel_loop3A_108 = arith.constant 10 : i32
      %parallel_loop3A_109 = vector.broadcast %parallel_loop3A_108 : i32 to vector<16xi32>
      %parallel_loop3A_110 = tpu.vector_load_idx %arg6[%parallel_loop3A_17, %parallel_loop3A_109] : memref<512x32xf32, #tpu.memory_space<vmem>>[vector<16xi32>, vector<16xi32>], vector<16xf32>,
      %parallel_loop3A_111 = arith.constant 16 : i32
      %parallel_loop3A_112 = arith.muli %parallel_loop3A_13, %parallel_loop3A_111 : i32
      %parallel_loop3A_113 = arith.constant 10 : i32
      %parallel_loop3A_114 = arith.index_cast %parallel_loop3A_113 : i32 to index
      %parallel_loop3A_115 = arith.index_cast %parallel_loop3A_112 : i32 to index
      %parallel_loop3A_116 = tpu.vector_load %arg7[%parallel_loop3A_114, %parallel_loop3A_115] {strides = array<i32>} : memref<32x512xf32, #tpu.memory_space<vmem>>, vector<16xf32>,
      tpu.vector_store %arg7[%parallel_loop3A_114, %parallel_loop3A_115], %parallel_loop3A_110 {strides = array<i32>} : memref<32x512xf32, #tpu.memory_space<vmem>>, vector<16xf32>,
      %parallel_loop3A_117 = arith.constant 11 : i32
      %parallel_loop3A_118 = vector.broadcast %parallel_loop3A_117 : i32 to vector<16xi32>
      %parallel_loop3A_119 = tpu.vector_load_idx %arg6[%parallel_loop3A_17, %parallel_loop3A_118] : memref<512x32xf32, #tpu.memory_space<vmem>>[vector<16xi32>, vector<16xi32>], vector<16xf32>,
      %parallel_loop3A_120 = arith.constant 16 : i32
      %parallel_loop3A_121 = arith.muli %parallel_loop3A_13, %parallel_loop3A_120 : i32
      %parallel_loop3A_122 = arith.constant 11 : i32
      %parallel_loop3A_123 = arith.index_cast %parallel_loop3A_122 : i32 to index
      %parallel_loop3A_124 = arith.index_cast %parallel_loop3A_121 : i32 to index
      %parallel_loop3A_125 = tpu.vector_load %arg7[%parallel_loop3A_123, %parallel_loop3A_124] {strides = array<i32>} : memref<32x512xf32, #tpu.memory_space<vmem>>, vector<16xf32>,
      tpu.vector_store %arg7[%parallel_loop3A_123, %parallel_loop3A_124], %parallel_loop3A_119 {strides = array<i32>} : memref<32x512xf32, #tpu.memory_space<vmem>>, vector<16xf32>,
      %parallel_loop3A_126 = arith.constant 12 : i32
      %parallel_loop3A_127 = vector.broadcast %parallel_loop3A_126 : i32 to vector<16xi32>
      %parallel_loop3A_128 = tpu.vector_load_idx %arg6[%parallel_loop3A_17, %parallel_loop3A_127] : memref<512x32xf32, #tpu.memory_space<vmem>>[vector<16xi32>, vector<16xi32>], vector<16xf32>,
      %parallel_loop3A_129 = arith.constant 16 : i32
      %parallel_loop3A_130 = arith.muli %parallel_loop3A_13, %parallel_loop3A_129 : i32
      %parallel_loop3A_131 = arith.constant 12 : i32
      %parallel_loop3A_132 = arith.index_cast %parallel_loop3A_131 : i32 to index
      %parallel_loop3A_133 = arith.index_cast %parallel_loop3A_130 : i32 to index
      %parallel_loop3A_134 = tpu.vector_load %arg7[%parallel_loop3A_132, %parallel_loop3A_133] {strides = array<i32>} : memref<32x512xf32, #tpu.memory_space<vmem>>, vector<16xf32>,
      tpu.vector_store %arg7[%parallel_loop3A_132, %parallel_loop3A_133], %parallel_loop3A_128 {strides = array<i32>} : memref<32x512xf32, #tpu.memory_space<vmem>>, vector<16xf32>,
      %parallel_loop3A_135 = arith.constant 13 : i32
      %parallel_loop3A_136 = vector.broadcast %parallel_loop3A_135 : i32 to vector<16xi32>
      %parallel_loop3A_137 = tpu.vector_load_idx %arg6[%parallel_loop3A_17, %parallel_loop3A_136] : memref<512x32xf32, #tpu.memory_space<vmem>>[vector<16xi32>, vector<16xi32>], vector<16xf32>,
      %parallel_loop3A_138 = arith.constant 16 : i32
      %parallel_loop3A_139 = arith.muli %parallel_loop3A_13, %parallel_loop3A_138 : i32
      %parallel_loop3A_140 = arith.constant 13 : i32
      %parallel_loop3A_141 = arith.index_cast %parallel_loop3A_140 : i32 to index
      %parallel_loop3A_142 = arith.index_cast %parallel_loop3A_139 : i32 to index
      %parallel_loop3A_143 = tpu.vector_load %arg7[%parallel_loop3A_141, %parallel_loop3A_142] {strides = array<i32>} : memref<32x512xf32, #tpu.memory_space<vmem>>, vector<16xf32>,
      tpu.vector_store %arg7[%parallel_loop3A_141, %parallel_loop3A_142], %parallel_loop3A_137 {strides = array<i32>} : memref<32x512xf32, #tpu.memory_space<vmem>>, vector<16xf32>,
      %parallel_loop3A_144 = arith.constant 14 : i32
      %parallel_loop3A_145 = vector.broadcast %parallel_loop3A_144 : i32 to vector<16xi32>
      %parallel_loop3A_146 = tpu.vector_load_idx %arg6[%parallel_loop3A_17, %parallel_loop3A_145] : memref<512x32xf32, #tpu.memory_space<vmem>>[vector<16xi32>, vector<16xi32>], vector<16xf32>,
      %parallel_loop3A_147 = arith.constant 16 : i32
      %parallel_loop3A_148 = arith.muli %parallel_loop3A_13, %parallel_loop3A_147 : i32
      %parallel_loop3A_149 = arith.constant 14 : i32
      %parallel_loop3A_150 = arith.index_cast %parallel_loop3A_149 : i32 to index
      %parallel_loop3A_151 = arith.index_cast %parallel_loop3A_148 : i32 to index
      %parallel_loop3A_152 = tpu.vector_load %arg7[%parallel_loop3A_150, %parallel_loop3A_151] {strides = array<i32>} : memref<32x512xf32, #tpu.memory_space<vmem>>, vector<16xf32>,
      tpu.vector_store %arg7[%parallel_loop3A_150, %parallel_loop3A_151], %parallel_loop3A_146 {strides = array<i32>} : memref<32x512xf32, #tpu.memory_space<vmem>>, vector<16xf32>,
      %parallel_loop3A_153 = arith.constant 15 : i32
      %parallel_loop3A_154 = vector.broadcast %parallel_loop3A_153 : i32 to vector<16xi32>
      %parallel_loop3A_155 = tpu.vector_load_idx %arg6[%parallel_loop3A_17, %parallel_loop3A_154] : memref<512x32xf32, #tpu.memory_space<vmem>>[vector<16xi32>, vector<16xi32>], vector<16xf32>,
      %parallel_loop3A_156 = arith.constant 16 : i32
      %parallel_loop3A_157 = arith.muli %parallel_loop3A_13, %parallel_loop3A_156 : i32
      %parallel_loop3A_158 = arith.constant 15 : i32
      %parallel_loop3A_159 = arith.index_cast %parallel_loop3A_158 : i32 to index
      %parallel_loop3A_160 = arith.index_cast %parallel_loop3A_157 : i32 to index
      %parallel_loop3A_161 = tpu.vector_load %arg7[%parallel_loop3A_159, %parallel_loop3A_160] {strides = array<i32>} : memref<32x512xf32, #tpu.memory_space<vmem>>, vector<16xf32>,
      tpu.vector_store %arg7[%parallel_loop3A_159, %parallel_loop3A_160], %parallel_loop3A_155 {strides = array<i32>} : memref<32x512xf32, #tpu.memory_space<vmem>>, vector<16xf32>,
      %parallel_loop3A_162 = arith.constant 16 : i32
      %parallel_loop3A_163 = vector.broadcast %parallel_loop3A_162 : i32 to vector<16xi32>
      %parallel_loop3A_164 = tpu.vector_load_idx %arg6[%parallel_loop3A_17, %parallel_loop3A_163] : memref<512x32xf32, #tpu.memory_space<vmem>>[vector<16xi32>, vector<16xi32>], vector<16xf32>,
      %parallel_loop3A_165 = arith.constant 16 : i32
      %parallel_loop3A_166 = arith.muli %parallel_loop3A_13, %parallel_loop3A_165 : i32
      %parallel_loop3A_167 = arith.constant 16 : i32
      %parallel_loop3A_168 = arith.index_cast %parallel_loop3A_167 : i32 to index
      %parallel_loop3A_169 = arith.index_cast %parallel_loop3A_166 : i32 to index
      %parallel_loop3A_170 = tpu.vector_load %arg7[%parallel_loop3A_168, %parallel_loop3A_169] {strides = array<i32>} : memref<32x512xf32, #tpu.memory_space<vmem>>, vector<16xf32>,
      tpu.vector_store %arg7[%parallel_loop3A_168, %parallel_loop3A_169], %parallel_loop3A_164 {strides = array<i32>} : memref<32x512xf32, #tpu.memory_space<vmem>>, vector<16xf32>,
      %parallel_loop3A_171 = arith.constant 17 : i32
      %parallel_loop3A_172 = vector.broadcast %parallel_loop3A_171 : i32 to vector<16xi32>
      %parallel_loop3A_173 = tpu.vector_load_idx %arg6[%parallel_loop3A_17, %parallel_loop3A_172] : memref<512x32xf32, #tpu.memory_space<vmem>>[vector<16xi32>, vector<16xi32>], vector<16xf32>,
      %parallel_loop3A_174 = arith.constant 16 : i32
      %parallel_loop3A_175 = arith.muli %parallel_loop3A_13, %parallel_loop3A_174 : i32
      %parallel_loop3A_176 = arith.constant 17 : i32
      %parallel_loop3A_177 = arith.index_cast %parallel_loop3A_176 : i32 to index
      %parallel_loop3A_178 = arith.index_cast %parallel_loop3A_175 : i32 to index
      %parallel_loop3A_179 = tpu.vector_load %arg7[%parallel_loop3A_177, %parallel_loop3A_178] {strides = array<i32>} : memref<32x512xf32, #tpu.memory_space<vmem>>, vector<16xf32>,
      tpu.vector_store %arg7[%parallel_loop3A_177, %parallel_loop3A_178], %parallel_loop3A_173 {strides = array<i32>} : memref<32x512xf32, #tpu.memory_space<vmem>>, vector<16xf32>,
      %parallel_loop3A_180 = arith.constant 18 : i32
      %parallel_loop3A_181 = vector.broadcast %parallel_loop3A_180 : i32 to vector<16xi32>
      %parallel_loop3A_182 = tpu.vector_load_idx %arg6[%parallel_loop3A_17, %parallel_loop3A_181] : memref<512x32xf32, #tpu.memory_space<vmem>>[vector<16xi32>, vector<16xi32>], vector<16xf32>,
      %parallel_loop3A_183 = arith.constant 16 : i32
      %parallel_loop3A_184 = arith.muli %parallel_loop3A_13, %parallel_loop3A_183 : i32
      %parallel_loop3A_185 = arith.constant 18 : i32
      %parallel_loop3A_186 = arith.index_cast %parallel_loop3A_185 : i32 to index
      %parallel_loop3A_187 = arith.index_cast %parallel_loop3A_184 : i32 to index
      %parallel_loop3A_188 = tpu.vector_load %arg7[%parallel_loop3A_186, %parallel_loop3A_187] {strides = array<i32>} : memref<32x512xf32, #tpu.memory_space<vmem>>, vector<16xf32>,
      tpu.vector_store %arg7[%parallel_loop3A_186, %parallel_loop3A_187], %parallel_loop3A_182 {strides = array<i32>} : memref<32x512xf32, #tpu.memory_space<vmem>>, vector<16xf32>,
      %parallel_loop3A_189 = arith.constant 19 : i32
      %parallel_loop3A_190 = vector.broadcast %parallel_loop3A_189 : i32 to vector<16xi32>
      %parallel_loop3A_191 = tpu.vector_load_idx %arg6[%parallel_loop3A_17, %parallel_loop3A_190] : memref<512x32xf32, #tpu.memory_space<vmem>>[vector<16xi32>, vector<16xi32>], vector<16xf32>,
      %parallel_loop3A_192 = arith.constant 16 : i32
      %parallel_loop3A_193 = arith.muli %parallel_loop3A_13, %parallel_loop3A_192 : i32
      %parallel_loop3A_194 = arith.constant 19 : i32
      %parallel_loop3A_195 = arith.index_cast %parallel_loop3A_194 : i32 to index
      %parallel_loop3A_196 = arith.index_cast %parallel_loop3A_193 : i32 to index
      %parallel_loop3A_197 = tpu.vector_load %arg7[%parallel_loop3A_195, %parallel_loop3A_196] {strides = array<i32>} : memref<32x512xf32, #tpu.memory_space<vmem>>, vector<16xf32>,
      tpu.vector_store %arg7[%parallel_loop3A_195, %parallel_loop3A_196], %parallel_loop3A_191 {strides = array<i32>} : memref<32x512xf32, #tpu.memory_space<vmem>>, vector<16xf32>,
      %parallel_loop3A_198 = arith.constant 20 : i32
      %parallel_loop3A_199 = vector.broadcast %parallel_loop3A_198 : i32 to vector<16xi32>
      %parallel_loop3A_200 = tpu.vector_load_idx %arg6[%parallel_loop3A_17, %parallel_loop3A_199] : memref<512x32xf32, #tpu.memory_space<vmem>>[vector<16xi32>, vector<16xi32>], vector<16xf32>,
      %parallel_loop3A_201 = arith.constant 16 : i32
      %parallel_loop3A_202 = arith.muli %parallel_loop3A_13, %parallel_loop3A_201 : i32
      %parallel_loop3A_203 = arith.constant 20 : i32
      %parallel_loop3A_204 = arith.index_cast %parallel_loop3A_203 : i32 to index
      %parallel_loop3A_205 = arith.index_cast %parallel_loop3A_202 : i32 to index
      %parallel_loop3A_206 = tpu.vector_load %arg7[%parallel_loop3A_204, %parallel_loop3A_205] {strides = array<i32>} : memref<32x512xf32, #tpu.memory_space<vmem>>, vector<16xf32>,
      tpu.vector_store %arg7[%parallel_loop3A_204, %parallel_loop3A_205], %parallel_loop3A_200 {strides = array<i32>} : memref<32x512xf32, #tpu.memory_space<vmem>>, vector<16xf32>,
      %parallel_loop3A_207 = arith.constant 21 : i32
      %parallel_loop3A_208 = vector.broadcast %parallel_loop3A_207 : i32 to vector<16xi32>
      %parallel_loop3A_209 = tpu.vector_load_idx %arg6[%parallel_loop3A_17, %parallel_loop3A_208] : memref<512x32xf32, #tpu.memory_space<vmem>>[vector<16xi32>, vector<16xi32>], vector<16xf32>,
      %parallel_loop3A_210 = arith.constant 16 : i32
      %parallel_loop3A_211 = arith.muli %parallel_loop3A_13, %parallel_loop3A_210 : i32
      %parallel_loop3A_212 = arith.constant 21 : i32
      %parallel_loop3A_213 = arith.index_cast %parallel_loop3A_212 : i32 to index
      %parallel_loop3A_214 = arith.index_cast %parallel_loop3A_211 : i32 to index
      %parallel_loop3A_215 = tpu.vector_load %arg7[%parallel_loop3A_213, %parallel_loop3A_214] {strides = array<i32>} : memref<32x512xf32, #tpu.memory_space<vmem>>, vector<16xf32>,
      tpu.vector_store %arg7[%parallel_loop3A_213, %parallel_loop3A_214], %parallel_loop3A_209 {strides = array<i32>} : memref<32x512xf32, #tpu.memory_space<vmem>>, vector<16xf32>,
      %parallel_loop3A_216 = arith.constant 22 : i32
      %parallel_loop3A_217 = vector.broadcast %parallel_loop3A_216 : i32 to vector<16xi32>
      %parallel_loop3A_218 = tpu.vector_load_idx %arg6[%parallel_loop3A_17, %parallel_loop3A_217] : memref<512x32xf32, #tpu.memory_space<vmem>>[vector<16xi32>, vector<16xi32>], vector<16xf32>,
      %parallel_loop3A_219 = arith.constant 16 : i32
      %parallel_loop3A_220 = arith.muli %parallel_loop3A_13, %parallel_loop3A_219 : i32
      %parallel_loop3A_221 = arith.constant 22 : i32
      %parallel_loop3A_222 = arith.index_cast %parallel_loop3A_221 : i32 to index
      %parallel_loop3A_223 = arith.index_cast %parallel_loop3A_220 : i32 to index
      %parallel_loop3A_224 = tpu.vector_load %arg7[%parallel_loop3A_222, %parallel_loop3A_223] {strides = array<i32>} : memref<32x512xf32, #tpu.memory_space<vmem>>, vector<16xf32>,
      tpu.vector_store %arg7[%parallel_loop3A_222, %parallel_loop3A_223], %parallel_loop3A_218 {strides = array<i32>} : memref<32x512xf32, #tpu.memory_space<vmem>>, vector<16xf32>,
      %parallel_loop3A_225 = arith.constant 23 : i32
      %parallel_loop3A_226 = vector.broadcast %parallel_loop3A_225 : i32 to vector<16xi32>
      %parallel_loop3A_227 = tpu.vector_load_idx %arg6[%parallel_loop3A_17, %parallel_loop3A_226] : memref<512x32xf32, #tpu.memory_space<vmem>>[vector<16xi32>, vector<16xi32>], vector<16xf32>,
      %parallel_loop3A_228 = arith.constant 16 : i32
      %parallel_loop3A_229 = arith.muli %parallel_loop3A_13, %parallel_loop3A_228 : i32
      %parallel_loop3A_230 = arith.constant 23 : i32
      %parallel_loop3A_231 = arith.index_cast %parallel_loop3A_230 : i32 to index
      %parallel_loop3A_232 = arith.index_cast %parallel_loop3A_229 : i32 to index
      %parallel_loop3A_233 = tpu.vector_load %arg7[%parallel_loop3A_231, %parallel_loop3A_232] {strides = array<i32>} : memref<32x512xf32, #tpu.memory_space<vmem>>, vector<16xf32>,
      tpu.vector_store %arg7[%parallel_loop3A_231, %parallel_loop3A_232], %parallel_loop3A_227 {strides = array<i32>} : memref<32x512xf32, #tpu.memory_space<vmem>>, vector<16xf32>,
      %parallel_loop3A_234 = arith.constant 24 : i32
      %parallel_loop3A_235 = vector.broadcast %parallel_loop3A_234 : i32 to vector<16xi32>
      %parallel_loop3A_236 = tpu.vector_load_idx %arg6[%parallel_loop3A_17, %parallel_loop3A_235] : memref<512x32xf32, #tpu.memory_space<vmem>>[vector<16xi32>, vector<16xi32>], vector<16xf32>,
      %parallel_loop3A_237 = arith.constant 16 : i32
      %parallel_loop3A_238 = arith.muli %parallel_loop3A_13, %parallel_loop3A_237 : i32
      %parallel_loop3A_239 = arith.constant 24 : i32
      %parallel_loop3A_240 = arith.index_cast %parallel_loop3A_239 : i32 to index
      %parallel_loop3A_241 = arith.index_cast %parallel_loop3A_238 : i32 to index
      %parallel_loop3A_242 = tpu.vector_load %arg7[%parallel_loop3A_240, %parallel_loop3A_241] {strides = array<i32>} : memref<32x512xf32, #tpu.memory_space<vmem>>, vector<16xf32>,
      tpu.vector_store %arg7[%parallel_loop3A_240, %parallel_loop3A_241], %parallel_loop3A_236 {strides = array<i32>} : memref<32x512xf32, #tpu.memory_space<vmem>>, vector<16xf32>,
      %parallel_loop3A_243 = arith.constant 25 : i32
      %parallel_loop3A_244 = vector.broadcast %parallel_loop3A_243 : i32 to vector<16xi32>
      %parallel_loop3A_245 = tpu.vector_load_idx %arg6[%parallel_loop3A_17, %parallel_loop3A_244] : memref<512x32xf32, #tpu.memory_space<vmem>>[vector<16xi32>, vector<16xi32>], vector<16xf32>,
      %parallel_loop3A_246 = arith.constant 16 : i32
      %parallel_loop3A_247 = arith.muli %parallel_loop3A_13, %parallel_loop3A_246 : i32
      %parallel_loop3A_248 = arith.constant 25 : i32
      %parallel_loop3A_249 = arith.index_cast %parallel_loop3A_248 : i32 to index
      %parallel_loop3A_250 = arith.index_cast %parallel_loop3A_247 : i32 to index
      %parallel_loop3A_251 = tpu.vector_load %arg7[%parallel_loop3A_249, %parallel_loop3A_250] {strides = array<i32>} : memref<32x512xf32, #tpu.memory_space<vmem>>, vector<16xf32>,
      tpu.vector_store %arg7[%parallel_loop3A_249, %parallel_loop3A_250], %parallel_loop3A_245 {strides = array<i32>} : memref<32x512xf32, #tpu.memory_space<vmem>>, vector<16xf32>,
      %parallel_loop3A_252 = arith.constant 26 : i32
      %parallel_loop3A_253 = vector.broadcast %parallel_loop3A_252 : i32 to vector<16xi32>
      %parallel_loop3A_254 = tpu.vector_load_idx %arg6[%parallel_loop3A_17, %parallel_loop3A_253] : memref<512x32xf32, #tpu.memory_space<vmem>>[vector<16xi32>, vector<16xi32>], vector<16xf32>,
      %parallel_loop3A_255 = arith.constant 16 : i32
      %parallel_loop3A_256 = arith.muli %parallel_loop3A_13, %parallel_loop3A_255 : i32
      %parallel_loop3A_257 = arith.constant 26 : i32
      %parallel_loop3A_258 = arith.index_cast %parallel_loop3A_257 : i32 to index
      %parallel_loop3A_259 = arith.index_cast %parallel_loop3A_256 : i32 to index
      %parallel_loop3A_260 = tpu.vector_load %arg7[%parallel_loop3A_258, %parallel_loop3A_259] {strides = array<i32>} : memref<32x512xf32, #tpu.memory_space<vmem>>, vector<16xf32>,
      tpu.vector_store %arg7[%parallel_loop3A_258, %parallel_loop3A_259], %parallel_loop3A_254 {strides = array<i32>} : memref<32x512xf32, #tpu.memory_space<vmem>>, vector<16xf32>,
      %parallel_loop3A_261 = arith.constant 27 : i32
      %parallel_loop3A_262 = vector.broadcast %parallel_loop3A_261 : i32 to vector<16xi32>
      %parallel_loop3A_263 = tpu.vector_load_idx %arg6[%parallel_loop3A_17, %parallel_loop3A_262] : memref<512x32xf32, #tpu.memory_space<vmem>>[vector<16xi32>, vector<16xi32>], vector<16xf32>,
      %parallel_loop3A_264 = arith.constant 16 : i32
      %parallel_loop3A_265 = arith.muli %parallel_loop3A_13, %parallel_loop3A_264 : i32
      %parallel_loop3A_266 = arith.constant 27 : i32
      %parallel_loop3A_267 = arith.index_cast %parallel_loop3A_266 : i32 to index
      %parallel_loop3A_268 = arith.index_cast %parallel_loop3A_265 : i32 to index
      %parallel_loop3A_269 = tpu.vector_load %arg7[%parallel_loop3A_267, %parallel_loop3A_268] {strides = array<i32>} : memref<32x512xf32, #tpu.memory_space<vmem>>, vector<16xf32>,
      tpu.vector_store %arg7[%parallel_loop3A_267, %parallel_loop3A_268], %parallel_loop3A_263 {strides = array<i32>} : memref<32x512xf32, #tpu.memory_space<vmem>>, vector<16xf32>,
      %parallel_loop3A_270 = arith.constant 28 : i32
      %parallel_loop3A_271 = vector.broadcast %parallel_loop3A_270 : i32 to vector<16xi32>
      %parallel_loop3A_272 = tpu.vector_load_idx %arg6[%parallel_loop3A_17, %parallel_loop3A_271] : memref<512x32xf32, #tpu.memory_space<vmem>>[vector<16xi32>, vector<16xi32>], vector<16xf32>,
      %parallel_loop3A_273 = arith.constant 16 : i32
      %parallel_loop3A_274 = arith.muli %parallel_loop3A_13, %parallel_loop3A_273 : i32
      %parallel_loop3A_275 = arith.constant 28 : i32
      %parallel_loop3A_276 = arith.index_cast %parallel_loop3A_275 : i32 to index
      %parallel_loop3A_277 = arith.index_cast %parallel_loop3A_274 : i32 to index
      %parallel_loop3A_278 = tpu.vector_load %arg7[%parallel_loop3A_276, %parallel_loop3A_277] {strides = array<i32>} : memref<32x512xf32, #tpu.memory_space<vmem>>, vector<16xf32>,
      tpu.vector_store %arg7[%parallel_loop3A_276, %parallel_loop3A_277], %parallel_loop3A_272 {strides = array<i32>} : memref<32x512xf32, #tpu.memory_space<vmem>>, vector<16xf32>,
      %parallel_loop3A_279 = arith.constant 29 : i32
      %parallel_loop3A_280 = vector.broadcast %parallel_loop3A_279 : i32 to vector<16xi32>
      %parallel_loop3A_281 = tpu.vector_load_idx %arg6[%parallel_loop3A_17, %parallel_loop3A_280] : memref<512x32xf32, #tpu.memory_space<vmem>>[vector<16xi32>, vector<16xi32>], vector<16xf32>,
      %parallel_loop3A_282 = arith.constant 16 : i32
      %parallel_loop3A_283 = arith.muli %parallel_loop3A_13, %parallel_loop3A_282 : i32
      %parallel_loop3A_284 = arith.constant 29 : i32
      %parallel_loop3A_285 = arith.index_cast %parallel_loop3A_284 : i32 to index
      %parallel_loop3A_286 = arith.index_cast %parallel_loop3A_283 : i32 to index
      %parallel_loop3A_287 = tpu.vector_load %arg7[%parallel_loop3A_285, %parallel_loop3A_286] {strides = array<i32>} : memref<32x512xf32, #tpu.memory_space<vmem>>, vector<16xf32>,
      tpu.vector_store %arg7[%parallel_loop3A_285, %parallel_loop3A_286], %parallel_loop3A_281 {strides = array<i32>} : memref<32x512xf32, #tpu.memory_space<vmem>>, vector<16xf32>,
      %parallel_loop3A_288 = arith.constant 30 : i32
      %parallel_loop3A_289 = vector.broadcast %parallel_loop3A_288 : i32 to vector<16xi32>
      %parallel_loop3A_290 = tpu.vector_load_idx %arg6[%parallel_loop3A_17, %parallel_loop3A_289] : memref<512x32xf32, #tpu.memory_space<vmem>>[vector<16xi32>, vector<16xi32>], vector<16xf32>,
      %parallel_loop3A_291 = arith.constant 16 : i32
      %parallel_loop3A_292 = arith.muli %parallel_loop3A_13, %parallel_loop3A_291 : i32
      %parallel_loop3A_293 = arith.constant 30 : i32
      %parallel_loop3A_294 = arith.index_cast %parallel_loop3A_293 : i32 to index
      %parallel_loop3A_295 = arith.index_cast %parallel_loop3A_292 : i32 to index
      %parallel_loop3A_296 = tpu.vector_load %arg7[%parallel_loop3A_294, %parallel_loop3A_295] {strides = array<i32>} : memref<32x512xf32, #tpu.memory_space<vmem>>, vector<16xf32>,
      tpu.vector_store %arg7[%parallel_loop3A_294, %parallel_loop3A_295], %parallel_loop3A_290 {strides = array<i32>} : memref<32x512xf32, #tpu.memory_space<vmem>>, vector<16xf32>,
      %parallel_loop3A_297 = arith.constant 31 : i32
      %parallel_loop3A_298 = vector.broadcast %parallel_loop3A_297 : i32 to vector<16xi32>
      %parallel_loop3A_299 = tpu.vector_load_idx %arg6[%parallel_loop3A_17, %parallel_loop3A_298] : memref<512x32xf32, #tpu.memory_space<vmem>>[vector<16xi32>, vector<16xi32>], vector<16xf32>,
      %parallel_loop3A_300 = arith.constant 16 : i32
      %parallel_loop3A_301 = arith.muli %parallel_loop3A_13, %parallel_loop3A_300 : i32
      %parallel_loop3A_302 = arith.constant 31 : i32
      %parallel_loop3A_303 = arith.index_cast %parallel_loop3A_302 : i32 to index
      %parallel_loop3A_304 = arith.index_cast %parallel_loop3A_301 : i32 to index
      %parallel_loop3A_305 = tpu.vector_load %arg7[%parallel_loop3A_303, %parallel_loop3A_304] {strides = array<i32>} : memref<32x512xf32, #tpu.memory_space<vmem>>, vector<16xf32>,
      tpu.vector_store %arg7[%parallel_loop3A_303, %parallel_loop3A_304], %parallel_loop3A_299 {strides = array<i32>} : memref<32x512xf32, #tpu.memory_space<vmem>>, vector<16xf32>,
    } {sc.loop_unroll_factor = 1 : i64, sc.parallel_access}
    "tpu.region"() ({
      %run_scoped3A = tpu.sem_alloc : memref<!tpu.dma_semaphore, #tpu.memory_space<semaphore_mem>>
      %dma_start3A = arith.constant 0 : i32
      %dma_start3A_13 = tpu.memref_slice %arg4[%dma_start3A, %mul3A_2] : memref<32x16384xf32, #tpu.memory_space<hbm>> -> memref<32x512xf32, #tpu.memory_space<hbm>>
      %dma_start3A_14 = arith.constant 0 : i32
      %dma_start3A_15 = tpu.memref_slice %arg4[%dma_start3A_14, %mul3A_2] : memref<32x16384xf32, #tpu.memory_space<hbm>> -> memref<32x512xf32, #tpu.memory_space<hbm>>
      tpu.enqueue_dma source(%arg7 : memref<32x512xf32, #tpu.memory_space<vmem>>) target(%dma_start3A_15 : memref<32x512xf32, #tpu.memory_space<hbm>>) target_semaphore(%run_scoped3A : memref<!tpu.dma_semaphore, #tpu.memory_space<semaphore_mem>>)
      %dma_wait3A_16 = arith.constant 0 : i32
      %dma_wait3A_17 = tpu.memref_slice %arg4[%dma_wait3A_16, %mul3A_2] : memref<32x16384xf32, #tpu.memory_space<hbm>> -> memref<32x512xf32, #tpu.memory_space<hbm>>
      %dma_wait3A_18 = arith.constant 0 : i32
      %dma_wait3A_19 = tpu.memref_slice %arg4[%dma_wait3A_18, %mul3A_2] : memref<32x16384xf32, #tpu.memory_space<hbm>> -> memref<32x512xf32, #tpu.memory_space<hbm>>
      tpu.wait_dma2 semaphore(%run_scoped3A : memref<!tpu.dma_semaphore, #tpu.memory_space<semaphore_mem>>) src(%arg7 : memref<32x512xf32, #tpu.memory_space<vmem>>) dst(%dma_wait3A_19 : memref<32x512xf32, #tpu.memory_space<hbm>>)
      tpu.yield
    }) : () -> ()
    return
  }
}

</mosaic_0001>

<sc_bundles>
// kernel: kernel.3.cloned.1.call-start
scs
__scs_entry_jumppad:
0x0: {  	(pc) =	sbr.rel $0x88, $3  }
0x1: {  	(tag) =	ssettag $0x0;
	lr =	simm.s32 $0x1  }
0x2: {  	[smem:$0x3F9F] =	sst lr;
	_ =	strace $0xD0000000  }
0x3: {  	_ = 	snop  }
0x4: {  	_ = 	snop  }
0x5: {  	_ = 	snop  }
0x6: {  	_ = 	snop  }
0x7: {  	_ = 	snop  }
__scs_overlays_trampoline_lowered:
0x8: {  	[smem:$0x3FAE] =	sst s0  }
0x9: {  	[smem:$0x3FAF] =	sst s1  }
0xa: {  	[smem:$0x3FB0] =	sst s2  }
0xb: {  	[smem:$0x3FB1] =	sst s3  }
0xc: {  	[smem:$0x3FB2] =	sst s4  }
0xd: {  	[smem:$0x3FB3] =	sst s5  }
0xe: {  	[smem:$0x3FB4] =	sst s6  }
0xf: {  	[smem:$0x3FB5] =	sst s7  }
0x10: {  	[smem:$0x3FB6] =	sst s8  }
0x11: {  	[smem:$0x3FB7] =	sst s9;
	s0 =	simm.s32 @!p0 $0x0  }
0x12: {  	s1 =	sld [smem:$0x3F9D];
	s0 =	simm.s32 @p0 $0x1  }
0x13: {  	[smem:$0x3FB8] =	sst s0;
	s0 =	simm.s32 @!p1 $0x0  }
0x14: {  	s2 =	sld [smem:$0x3F9C];
	s0 =	simm.s32 @p1 $0x1  }
0x15: {  	[smem:$0x3FB9] =	sst s0;
	s0 =	simm.s32 @!p2 $0x0  }
0x16: {  	s3 =	sld [smem:$0x3FDB];
	s0 =	simm.s32 @p2 $0x1  }
0x17: {  	s4 =	simm.s32 $0x1BF5;
	[smem:$0x3FBB] =	sst s0  }
0x18: {  	s0 =	sld [smem:$0x3F9E];
	_ =	swait.ge [sflag:s4], $0x0  }
0x19: {  	s7 =	sld [smem:$0x3F9F]  }
0x1a: {  	s8 =	sadd.s32 $0xFFFFE003, lr  }
0x1b: {  	s9 =	sadd.s32 $0xFFFFFEF7, lr;
	s5 =	simm.s32 $0xFFFFFFFF;
	p2 =	slt.u32 s8, $0xFFFFF086  }
0x1c: {  	p1 =	slt.u32 s9, $0xF7A;
	s5 =	simm.s32 @!p2 $0x0  }
0x1d: {  	s5 =	simm.s32 @p1 $0x1;
	p0 =	seq.s32 s7, s2  }
0x1e: {  	s7 =	smul.u32 @!p0 $0xF7A, s2;
	p2 =	seq.s32 @!p0 s5, $0x0  }
0x1f: {  	s9 =	smul.u32 $0xF7A, s1;
	s8 =	simm.s32 @!p0 $0x1BF5;
	p2 =	por !p2, p0  }
0x20: {  	[sflag:s8] =	ssyncset.s32 @!p0 $0xFFFFF086;
	s6 =	sadd.s32 @!p0 s3, s7;
	s7 =	simm.s32 @!p0 $0x108  }
0x21: {  	s3 =	sadd.s32 s3, s9;
	s6 =	sadd.s32 @!p0 $0x88, s6;
	s7 =	simm.s32 @p2 $0x1082  }
0x22: {  	[simem:s7], [sflag:s8] =	dma.local @!p0 [hbm:s6], $0xF7A  }
0x23: {  	s9 =	sor.u32 $0xD0000000, s2;
	s6 =	simm.s32 $0x108;
	_ =	swait.ge @!p0 [sflag:s8], $0x0  }
0x24: {  	s3 =	sadd.s32 $0x88, s3;
	s6 =	simm.s32 @!p1 $0x1082;
	[sflag:s4] =	ssyncset.s32 $0xFFFFF086  }
0x25: {  	[simem:s6], [sflag:s4] =	dma.local [hbm:s3], $0xF7A  }
0x26: {  	[smem:$0x3F9F] =	sst s1;
	(tag) =	ssettag s2;
	_ =	strace s9  }
0x27: {  	s1 =	sld [smem:$0x3FAF]  }
0x28: {  	s2 =	sld [smem:$0x3FB0]  }
0x29: {  	s4 =	sld [smem:$0x3FB2]  }
0x2a: {  	p0 =	seq.s32 s5, $0x0;
	s5 =	sld [smem:$0x3FB3]  }
0x2b: {  	s6 =	sld [smem:$0x3FB4]  }
0x2c: {  	s7 =	sld [smem:$0x3FB5]  }
0x2d: {  	s3 =	simm.s32 $0x108;
	s8 =	sld [smem:$0x3FB6]  }
0x2e: {  	s3 =	simm.s32 @!p0 $0x1082;
	s9 =	sld [smem:$0x3FB7]  }
0x2f: {  	lr =	sadd.s32 s0, s3;
	s0 =	sld [smem:$0x3FAE]  }
0x30: {  	s3 =	sld [smem:$0x3FB1]  }
0x31: {  	[smem:$0x3FBA] =	sst s10  }
0x32: {  	s10 =	sld [smem:$0x3FB8];
	_ =	sdelay $0x3  }
0x33: {  	p0 =	seq.s32 s10, $0x1;
	s10 =	sld [smem:$0x3FBA];
	_ =	sdelay $0x3  }
0x34: {  	[smem:$0x3FBA] =	sst s10  }
0x35: {  	s10 =	sld [smem:$0x3FB9];
	_ =	sdelay $0x3  }
0x36: {  	p1 =	seq.s32 s10, $0x1;
	s10 =	sld [smem:$0x3FBA];
	_ =	sdelay $0x3  }
0x37: {  	[smem:$0x3FBA] =	sst s10  }
0x38: {  	s10 =	sld [smem:$0x3FBB]  }
0x39: {  	_ = 	snop;
	(pc) =	sbr.ind lr, $3  }
0x3a: {  	_ = 	snop  }
0x3b: {  	_ = 	snop  }
0x3c: {  	p2 =	seq.s32 s10, $0x1;
	s10 =	sld [smem:$0x3FBA]  }
0x3d: {  	_ =	shalt  }
0x3e: {  	_ =	shalt  }
0x3f: {  	_ =	shalt  }
0x40: {  	_ =	shalt  }
0x41: {  	_ =	shalt  }
0x42: {  	_ =	shalt  }
0x43: {  	_ =	shalt  }
0x44: {  	_ =	shalt  }
0x45: {  	_ =	shalt  }
0x46: {  	_ =	shalt  }
0x47: {  	_ =	shalt  }
0x48: {  	_ =	shalt  }
0x49: {  	_ =	shalt  }
0x4a: {  	_ =	shalt  }
0x4b: {  	_ =	shalt  }
0x4c: {  	_ =	shalt  }
0x4d: {  	_ =	shalt  }
0x4e: {  	_ =	shalt  }
0x4f: {  	_ =	shalt  }
0x50: {  	_ =	shalt  }
0x51: {  	_ =	shalt  }
0x52: {  	_ =	shalt  }
0x53: {  	_ =	shalt  }
0x54: {  	_ =	shalt  }
0x55: {  	_ =	shalt  }
0x56: {  	_ =	shalt  }
0x57: {  	_ =	shalt  }
0x58: {  	_ =	shalt  }
0x59: {  	_ =	shalt  }
0x5a: {  	_ =	shalt  }
0x5b: {  	_ =	shalt  }
0x5c: {  	_ =	shalt  }
0x5d: {  	_ =	shalt  }
0x5e: {  	_ =	shalt  }
0x5f: {  	_ =	shalt  }
0x60: {  	_ =	shalt  }
0x61: {  	_ =	shalt  }
0x62: {  	_ =	shalt  }
0x63: {  	_ =	shalt  }
0x64: {  	_ =	shalt  }
0x65: {  	_ =	shalt  }
0x66: {  	_ =	shalt  }
0x67: {  	_ =	shalt  }
0x68: {  	_ =	shalt  }
0x69: {  	_ =	shalt  }
0x6a: {  	_ =	shalt  }
0x6b: {  	_ =	shalt  }
0x6c: {  	_ =	shalt  }
0x6d: {  	_ =	shalt  }
0x6e: {  	_ =	shalt  }
0x6f: {  	_ =	shalt  }
0x70: {  	_ =	shalt  }
0x71: {  	_ =	shalt  }
0x72: {  	_ =	shalt  }
0x73: {  	_ =	shalt  }
0x74: {  	_ =	shalt  }
0x75: {  	_ =	shalt  }
0x76: {  	_ =	shalt  }
0x77: {  	_ =	shalt  }
0x78: {  	_ =	shalt  }
0x79: {  	_ =	shalt  }
0x7a: {  	_ =	shalt  }
0x7b: {  	_ =	shalt  }
0x7c: {  	_ =	shalt  }
0x7d: {  	_ =	shalt  }
0x7e: {  	_ =	shalt  }
0x7f: {  	_ =	shalt  }
0x80: {  	_ =	shalt  }
0x81: {  	_ =	shalt  }
0x82: {  	_ =	shalt  }
0x83: {  	_ =	shalt  }
0x84: {  	_ =	shalt  }
0x85: {  	_ =	shalt  }
0x86: {  	_ =	shalt  }
0x87: {  	_ =	shalt  }
.Lfunc_end0:
.L_simem_size_0:
called_computation_lowered:
.L_overlay_start_0:
0x88: {  	s2 =	sld [smem:$0x3FD9]  }
0x89: {  	s3 =	sld [smem:$0x3FFE];
	_ =	sdelay $0x1  }
0x8a: {  	s1 =	srdreg.scid  }
0x8b: {  	s0 =	sand.u32 $0x1, s1  }
0x8c: {  	s17 =	sshll.u32 s0, $0xA;
	s2 =	sadd.s32 s3, s2  }
0x8d: {  	s2 =	sadd.s32 s2, s17  }
0x8e: {  	[smem:$0x3FC6] =	sst s2  }
0x8f: {  	_ = 	snop  }
0x90: {  	s2 =	sld [smem:$0x3FC9]  }
0x91: {  	s18 =	sld [smem:$0x3FD0];
	(tm) =	ssettm $0x1  }
0x92: {  	s4 =	sld [smem:$0x3FFB];
	_ =	sdelay $0x3  }
0x93: {  	_ =	strace s4  }
0x94: {  	s4 =	sld [smem:$0x3FFC];
	_ =	sdelay $0x3  }
0x95: {  	_ =	strace s4  }
0x96: {  	s4 =	sld [smem:$0x3FFD];
	_ =	sdelay $0x3  }
0x97: {  	_ =	strace s4  }
0x98: {  	_ =	strace $0x8FFFFFFF  }
0x99: {  	s19 =	sld [smem:$0x3FDB];
	_ =	sdelay $0x1  }
0x9a: {  	s5 =	simm.s32 $_scs_section_size  }
0x9b: {  	s6 =	simm.s32 $_size__tile_overlayer_lowered;
	s7 =	simm.s32 $_tile_overlayer_lowered  }
0x9c: {  	s22 =	simm.s32 $0x1BFF;
	s21 =	sshll.u32 s7, $0x1;
	s4 =	sadd.s32 s5, s19  }
0x9d: {  	s8 =	simm.s32 $0x0;
	s20 =	sshll.u32 s6, $0x1;
	s6 =	sadd.s32 s21, s4  }
0x9e: {  	[timem:s8], [sflag:s22] =	dma.local [hbm:s6], s20  }
0x9f: {  	_ =	swait.ge [sflag:s22], s20  }
0xa0: {  	s5 =	ssub.s32 $0x0, s20;
	[sflag:s22] =	ssyncset.done $0x0  }
0xa1: {  	[sflag:s22] =	ssyncadd.s32 s5;
	_ =	sdelay $0x1  }
0xa2: {  	s23 =	simm.s32 $0x1B8B  }
0xa3: {  	_ =	swait.ge [sflag:s23], $0x1  }
0xa4: {  	[sflag:s23] =	ssyncset.done $0x0  }
0xa5: {  	s25 =	simm.s32 $0x1B8E;
	s24 =	sld [smem:$0x3FFE];
	[sflag:s23] =	ssyncadd.s32 $0xFFFFFFFF  }
0xa6: {  	s26 =	simm.s32 $execute0_lowered;
	[smem:$0x3FD2] =	sst s25  }
0xa7: {  	s6 =	sshll.u32 s26, $0x1;
	_ =	strace $0x80000046;
	[dreg:$0x1] =	wrdreg $0xFFFFFFFF  }
0xa8: {  	s28 =	simm.s32 $_size_execute0_lowered;
	s4 =	sadd.s32 s4, s6;
	[dreg:$0x0] =	wrdreg $0x0  }
0xa9: {  	s6 =	sshll.u32 s28, $0x1;
	[dreg:$0x2] =	wrdreg s4  }
0xaa: {  	[dreg:$0x3] =	wrdreg s6  }
0xab: {  	[dreg:$0x4] =	wrdreg $0xC0  }
0xac: {  	_ =	task [dreg:s8], $0x5FFFF  }
0xad: {  	[dreg:$0x1] =	wrdreg $0xFFFFFFFF  }
0xae: {  	[dreg:$0x0] =	wrdreg $0x60  }
0xaf: {  	[dreg:$0x2] =	wrdreg s24  }
0xb0: {  	[dreg:$0x3] =	wrdreg s2  }
0xb1: {  	[dreg:$0x4] =	wrdreg s18  }
0xb2: {  	[dreg:$0x5] =	wrdreg $0x9  }
0xb3: {  	_ =	task.clear_ibuf [dreg:s8], $0x6FFFF;
	_ =	strace $0x90000046  }
0xb4: {  	s29 =	simm.s32 $0x9;
	_ =	strace $0x80000048  }
0xb5: {  	_ =	swait.ge [sflag:s29], $0x1  }
0xb6: {  	[sflag:s29] =	ssyncadd.s32 $0xFFFFFFFF  }
0xb7: {  	_ =	strace $0x90000048  }
0xb8: {  	_ =	sfence  }
0xb9: {  	s30 =	sld [smem:$0x0];
	_ =	sdelay $0x2  }
0xba: {  	s31 =	sshll.u32 s1, $0xD;
	s1 =	sshrl.u32 s1, $0x2  }
0xbb: {  	s3 =	sand.u32 $0x4000, s31;
	s1 =	sadd.s32 s1, s30  }
0xbc: {  	s0 =	sor.u32 s3, s0;
	s1 =	sshll.u32 s1, $0x11  }
0xbd: {  	s0 =	sor.u32 s1, s0  }
0xbe: {  	s0 =	sadd.s32 $0x8F2B, s0  }
0xbf: {  	[sflag:s0] =	ssyncadd.remote.s32 $0x1  }
0xc0: {  	_ =	sfence.sel $0xFFFF  }
0xc1: {  	[dreg:$0x0] =	wrdreg $0xFFFFFFFF;
	(pc) =	sbr.abs _section_cstart, $3  }
0xc2: {  	[dreg:$0x1] =	wrdreg $0xFFFFFFFF  }
0xc3: {  	_ =	task.clear_ibuf [dreg:s8], $0x2FFFF;
	_ =	strace $0x9FFFFFFF  }
0xc4: {  	(tm) =	ssettm $0x7FFFFFFF  }
0xc5: {  	_ =	shalt  }
tec
execute0_lowered:
.L_overlay_start_1:
0x0: {  	(tag) =	ssettag $0x1  }
0x1: {  	s3 =	rddreg [dreg:$0x0]  }
0x2: {  	s4 =	rddreg [dreg:$0x1]  }
0x3: {  	s5 =	rddreg [dreg:$0x2];
	s2 =	srdreg.scid  }
0x4: {  	s0 =	stileid.u32;
	s12 =	simm.s32 $0x10200;
	s13 =	simm.s32 $0x0  }
0x5: {  	vm0 =	vmmov $0x1;
	vm1 =	vcmask $0x308;
	vm2 =	vcmask $0x70C;
	s6 =	sand.u32 $0x1, s2;
	s2 =	simm.s32 $0x0;
	s7 =	sshll.u32 s0, $0xA  }
0x6: {  	vm3 =	vcmask $0xB10;
	vm4 =	vcmask $0xF14;
	vm5 =	vcmask $0x1318;
	s3 =	sadd.s32 $0x400, s3;
	s8 =	sshll.u32 s6, $0x9;
	[smem:$0x7FF] =	sst s2  }
0x7: {  	vm6 =	vcmask $0x171C;
	vm7 =	vcmask $0x1B20;
	vm8 =	vcmask $0x1F24;
	s6 =	ssub.s32 $0x2, s6;
	s7 =	sor.u32 s8, s7;
	_ =	strace $0x80000047  }
0x8: {  	vm9 =	vcmask $0x2328;
	vm10 =	vcmask $0x272C;
	vm11 =	vcmask $0x2B30;
	s31 =	sshrl.u32 s6, $0x1;
	s8 =	simm.s32 $0x1;
	s9 =	sshrl.u32 s7, $0x3  }
0x9: {  	vm12 =	vcmask $0x2F34;
	vm13 =	vcmask $0x3338;
	v0 =	vlaneseq.u32;
	s6 =	ssub.s32 s6, s31;
	s5 =	sadd.s32 s5, s7;
	s7 =	simm.s32 $0x2  }
0xa: {  	vm14 =	vcmask $0x373C;
	vm15 =	vmmov $0x7fff;
	v0 =	vmul.u32 $0x80, v0;
	s4 =	sadd.s32 s4, s9;
	s6 =	smax.u32 s6, $0x1;
	s9 =	simm.s32 $0x200  }
.LBB2_1:
0xb: {  	[tilespmem:s2], [sflag:$0x2] =	stream.linear.gather [hbm4b:s4+s2], $0x200, $0x38;
	[tilespmem:$0x14200] =	vst v63  }
0xc: {  	_ =	swait.ge [sflag:s7], $0x200  }
0xd: {  	[sflag:s7] =	ssyncset.done $0x0  }
0xe: {  	[sflag:s7] =	ssyncadd.s32 $0xFFFFFE00  }
0xf: {  	v1 =	vld [tilespmem:s2+$0x0];
	_ =	sdelay $0x4  }
0x10: {  	v2 =	vnsel vm0, $0x0, v1  }
0x11: {  	v3 =	vsel vm1, $0x0, v1;
	v2 =	vxor.u32 $0x80000000, v2  }
0x12: {  	v4 =	vsel vm2, $0x0, v1;
	v3 =	vxor.u32 $0x80000000, v3;
	(xrf0) =	vmax.scan.msk.u32 $0xffff, v2  }
0x13: {  	v2 =	vxor.u32 $0x80000000, v4;
	v4 =	vsel vm3, $0x0, v1;
	(xrf0) =	vmax.scan.msk.u32 $0xffff, v3  }
0x14: {  	v3 =	vsel vm4, $0x0, v1;
	v4 =	vxor.u32 $0x80000000, v4;
	(xrf0) =	vmax.scan.msk.u32 $0xffff, v2  }
0x15: {  	v2 =	vsel vm5, $0x0, v1;
	v3 =	vxor.u32 $0x80000000, v3;
	(xrf0) =	vmax.scan.msk.u32 $0xffff, v4  }
0x16: {  	v2 =	vxor.u32 $0x80000000, v2;
	v4 =	vsel vm6, $0x0, v1;
	(xrf0) =	vmax.scan.msk.u32 $0xffff, v3  }
0x17: {  	v4 =	vxor.u32 $0x80000000, v4;
	(xrf0) =	vmax.scan.msk.u32 $0xffff, v2  }
0x18: {  	v3 =	vsel vm7, $0x0, v1;
	v5, _, _ =	vpop (xrf0);
	(xrf0) =	vmax.scan.msk.u32 $0xffff, v4;
	v4 =	vsel vm9, $0x0, v1  }
0x19: {  	v2 =	vsel vm8, $0x0, v1;
	v3 =	vxor.u32 $0x80000000, v3;
	v6, _, _ =	vpop (xrf0)  }
0x1a: {  	v2 =	vxor.u32 $0x80000000, v2;
	(xrf0) =	vmax.scan.msk.u32 $0xffff, v3;
	(v2sf) =	vpush v6, $0xF  }
0x1b: {  	v3 =	vxor.u32 $0x80000000, v4;
	v4, _, _ =	vpop (xrf0);
	(xrf0) =	vmax.scan.msk.u32 $0xffff, v2;
	v2 =	vsel vm10, $0x0, v1;
	(v2sf) =	vpush v5, $0xF  }
0x1c: {  	v5, _, _ =	vpop (xrf0);
	(xrf0) =	vmax.scan.msk.u32 $0xffff, v3;
	v3 =	vsel vm11, $0x0, v1;
	v2 =	vxor.u32 $0x80000000, v2;
	(v2sf) =	vpush v4, $0xF  }
0x1d: {  	v6 =	vsel vm12, $0x0, v1;
	v4, _, _ =	vpop (xrf0);
	v3 =	vxor.u32 $0x80000000, v3  }
0x1e: {  	(xrf0) =	vmax.scan.msk.u32 $0xffff, v2;
	(v2sf) =	vpush v4, $0xF;
	v4 =	vxor.u32 $0x80000000, v6  }
0x1f: {  	(xrf0) =	vmax.scan.msk.u32 $0xffff, v3;
	v2, _, _ =	vpop (xrf0);
	(v2sf) =	vpush v5, $0xF  }
0x20: {  	v3, _, _ =	vpop (xrf0);
	(xrf0) =	vmax.scan.msk.u32 $0xffff, v4  }
0x21: {  	v4, _, _ =	vpop (xrf0)  }
0x22: {  	(v2sf) =	vpush v3, $0xF;
	v3, _, _ =	vpop (xrf0)  }
0x23: {  	v5, _, _ =	vpop (xrf0)  }
0x24: {  	(v2sf) =	vpush v5, $0xF;
	v5, _, _ =	vpop (xrf0)  }
0x25: {  	v6, _, _ =	vpop (xrf0)  }
0x26: {  	v7, _, _ =	vpop (xrf0)  }
0x27: {  	s14 =	simm.s32 $0x2000;
	s15 =	simm.s32 $0x4000;
	(v2sf) =	vpush v7, $0xF  }
0x28: {  	s16 =	simm.s32 $0x0;
	s18 =	simm.s32 $0x580;
	s20 =	simm.s32 $0x500  }
0x29: {  	s26 =	simm.s32 $0x200;
	s19 =	simm.s32 $0x400;
	(v2sf) =	vpush v2, $0xF;
	s17 =	spop (v2sf)  }
0x2a: {  	s0 =	simm.s32 $0x300;
	s1 =	simm.s32 $0x380;
	v2 =	vsel vm13, $0x0, v1;
	(v2sf) =	vpush v3, $0xF;
	s22 =	spop (v2sf)  }
0x2b: {  	v2 =	vxor.u32 $0x80000000, v2;
	v3 =	vsel vm14, $0x0, v1;
	(v2sf) =	vpush v5, $0xF;
	s23 =	sshll.u32 s17, $0x4;
	s17 =	simm.s32 $0x10;
	s24 =	spop (v2sf)  }
0x2c: {  	(xrf0) =	vmax.scan.msk.u32 $0xffff, v2;
	v2 =	vxor.u32 $0x80000000, v3;
	(v2sf) =	vpush v4, $0xF;
	s23 =	sand.u32 $0x1FFFFFF0, s23;
	s22 =	sshll.u32 s22, $0x4;
	s24 =	sshll.u32 s24, $0x4  }
0x2d: {  	v1 =	vsel vm15, $0x0, v1;
	(xrf0) =	vmax.scan.msk.u32 $0xffff, v2;
	s22 =	sand.u32 $0x1FFFFFF0, s22;
	s23 =	sadd.s32 s3, s23;
	s25 =	spop (v2sf)  }
0x2e: {  	v1 =	vxor.u32 $0x80000000, v1;
	s22 =	sadd.s32 s3, s22;
	s24 =	sand.u32 $0x1FFFFFF0, s24;
	s28 =	spop (v2sf)  }
0x2f: {  	(xrf0) =	vmax.scan.msk.u32 $0xffff, v1;
	v1 =	vld [tilespmem:s17+$0x0];
	[tilespmem:s26], [sflag:$0x1] =	stream.linear.gather [hbm4b:s22+s2], $0x80, $0x38  }
0x30: {  	(v2sf) =	vpush v6, $0xF;
	s25 =	sshll.u32 s25, $0x4;
	s26 =	simm.s32 $0x280;
	s28 =	sshll.u32 s28, $0x4  }
0x31: {  	[tilespmem:s26], [sflag:$0x1] =	stream.linear.gather [hbm4b:s23+s2], $0x80, $0x38;
	[tilespmem:$0x14200] =	vst v63  }
0x32: {  	s24 =	sadd.s32 s3, s24;
	s29 =	spop (v2sf);
	s28 =	sand.u32 $0x1FFFFFF0, s28;
	v2, _, _ =	vpop (xrf0)  }
0x33: {  	(v2sf) =	vpush v2, $0xF;
	v2, _, _ =	vpop (xrf0);
	[tilespmem:s0], [sflag:$0x1] =	stream.linear.gather [hbm4b:s24+s2], $0x80, $0x38;
	[tilespmem:$0x14200] =	vst v63  }
0x34: {  	s31 =	sand.u32 $0x1FFFFFF0, s25;
	s11 =	sadd.s32 s3, s28;
	(v2sf) =	vpush v2, $0xF;
	v2 =	vnsel vm0, $0x0, v1;
	s30 =	spop (v2sf)  }
0x35: {  	v3, _, _ =	vpop (xrf0);
	v2 =	vxor.u32 $0x80000000, v2;
	[tilespmem:s1], [sflag:$0x1] =	stream.linear.gather [hbm4b:s11+s2], $0x80, $0x38;
	[tilespmem:$0x14200] =	vst v63  }
0x36: {  	s21 =	simm.s32 $0x480;
	s22 =	sadd.s32 s3, s31;
	v4 =	vsel vm1, $0x0, v1;
	(v2sf) =	vpush v3, $0xF;
	(xrf0) =	vmax.scan.msk.u32 $0xffff, v2;
	s23 =	spop (v2sf)  }
0x37: {  	v4 =	vxor.u32 $0x80000000, v4;
	v3 =	vsel vm2, $0x0, v1;
	[tilespmem:s19], [sflag:$0x1] =	stream.linear.gather [hbm4b:s22+s2], $0x80, $0x38;
	[tilespmem:$0x14200] =	vst v63  }
0x38: {  	s29 =	sshll.u32 s29, $0x4;
	v2 =	vxor.u32 $0x80000000, v3;
	v3 =	vsel vm3, $0x0, v1;
	s30 =	sshll.u32 s30, $0x4;
	(xrf0) =	vmax.scan.msk.u32 $0xffff, v4;
	s10 =	spop (v2sf)  }
0x39: {  	v3 =	vxor.u32 $0x80000000, v3;
	(xrf0) =	vmax.scan.msk.u32 $0xffff, v2;
	v2 =	vsel vm4, $0x0, v1;
	s23 =	sshll.u32 s23, $0x4;
	s25 =	sshll.u32 s10, $0x4;
	s0 =	spop (v2sf)  }
0x3a: {  	v2 =	vxor.u32 $0x80000000, v2;
	(xrf0) =	vmax.scan.msk.u32 $0xffff, v3;
	v3 =	vsel vm5, $0x0, v1;
	s10 =	sand.u32 $0x1FFFFFF0, s29;
	s25 =	sand.u32 $0x1FFFFFF0, s25;
	s31 =	spop (v2sf)  }
0x3b: {  	(xrf0) =	vmax.scan.msk.u32 $0xffff, v2;
	v2 =	vxor.u32 $0x80000000, v3;
	v3 =	vsel vm6, $0x0, v1;
	s1 =	sshll.u32 s0, $0x4;
	s26 =	sadd.s32 s3, s10;
	s11 =	spop (v2sf)  }
0x3c: {  	v3 =	vxor.u32 $0x80000000, v3;
	(xrf0) =	vmax.scan.msk.u32 $0xffff, v2;
	s24 =	sand.u32 $0x1FFFFFF0, s1;
	s0 =	sadd.s32 s3, s25;
	s10 =	sshll.u32 s31, $0x4  }
0x3d: {  	v2 =	vsel vm7, $0x0, v1;
	(xrf0) =	vmax.scan.msk.u32 $0xffff, v3;
	v3 =	vsel vm8, $0x0, v1;
	s19 =	sadd.s32 s3, s24;
	s24 =	sand.u32 $0x1FFFFFF0, s30;
	s1 =	sshll.u32 s11, $0x4  }
0x3e: {  	v2 =	vxor.u32 $0x80000000, v2;
	[tilespmem:s21], [sflag:$0x1] =	stream.linear.gather [hbm4b:s0+s2], $0x80, $0x38;
	v3 =	vxor.u32 $0x80000000, v3;
	[tilespmem:$0x14200] =	vst v63  }
0x3f: {  	s31 =	sand.u32 $0x1FFFFFF0, s10;
	(xrf0) =	vmax.scan.msk.u32 $0xffff, v2;
	s11 =	spop (v2sf);
	s30 =	sand.u32 $0x1FFFFFF0, s1  }
0x40: {  	v5 =	vsel vm10, $0x0, v1;
	v6 =	vsel vm11, $0x0, v1;
	v9 =	vsel vm13, $0x0, v1;
	v4, _, _ =	vpop (xrf0);
	[tilespmem:s20], [sflag:$0x1] =	stream.linear.gather [hbm4b:s26+s2], $0x80, $0x38;
	[tilespmem:$0x14200] =	vst v63  }
0x41: {  	v10 =	vsel vm14, $0x0, v1;
	v7 =	vxor.u32 $0x80000000, v5;
	v2 =	vsel vm9, $0x0, v1;
	(xrf0) =	vmax.scan.msk.u32 $0xffff, v3;
	s24 =	sadd.s32 s3, s24;
	s21 =	sadd.s32 s3, s31;
	s1 =	sadd.s32 s3, s30;
	v3, _, _ =	vpop (xrf0)  }
0x42: {  	v8 =	vxor.u32 $0x80000000, v6;
	v2 =	vxor.u32 $0x80000000, v2;
	(v2sf) =	vpush v3, $0xF;
	v3, _, _ =	vpop (xrf0);
	[tilespmem:s18], [sflag:$0x1] =	stream.linear.gather [hbm4b:s1+s2], $0x80, $0x38;
	[tilespmem:$0x14200] =	vst v63  }
0x43: {  	v5 =	vsel vm12, $0x0, v1;
	v1 =	vsel vm15, $0x0, v1;
	s0 =	sshll.u32 s11, $0x4;
	s26 =	simm.s32 $0x600;
	(xrf0) =	vmax.scan.msk.u32 $0xffff, v2;
	s10 =	spop (v2sf);
	v6, _, _ =	vpop (xrf0);
	(v2sf) =	vpush v4, $0xF  }
0x44: {  	v5 =	vxor.u32 $0x80000000, v5;
	v1 =	vxor.u32 $0x80000000, v1;
	s22 =	sand.u32 $0x1FFFFFF0, s0;
	s11 =	spop (v2sf);
	s31 =	sshll.u32 s10, $0x4;
	(v2sf) =	vpush v3, $0xF;
	v4, _, _ =	vpop (xrf0);
	(xrf0) =	vmax.scan.msk.u32 $0xffff, v7  }
0x45: {  	v2 =	vxor.u32 $0x80000000, v9;
	v3 =	vxor.u32 $0x80000000, v10;
	s20 =	spop (v2sf);
	(v2sf) =	vpush v4, $0xF;
	v4, _, _ =	vpop (xrf0);
	(xrf0) =	vmax.scan.msk.u32 $0xffff, v8;
	s25 =	sand.u32 $0x1FFFFFF0, s31;
	s18 =	sshll.u32 s11, $0x4  }
.LBB2_2:
0x46: {  	[tilespmem:s26], [sflag:$0x1] =	stream.linear.gather [hbm4b:s19+s2], $0x80, $0x38;
	[tilespmem:$0x14200] =	vst v63  }
0x47: {  	v7, _, _ =	vpop (xrf0);
	(xrf0) =	vmax.scan.msk.u32 $0xffff, v5;
	s26 =	smov.u32 s14;
	s14 =	smov.u32 s15;
	s19 =	smov.u32 s16  }
0x48: {  	s22 =	sadd.s32 s3, s22;
	s23 =	sand.u32 $0x1FFFFFF0, s23;
	(v2sf) =	vpush v6, $0xF;
	v5, _, _ =	vpop (xrf0);
	(xrf0) =	vmax.scan.msk.u32 $0xffff, v2;
	s16 =	sadd.s32 $0x680, s19  }
0x49: {  	v2, _, _ =	vpop (xrf0);
	(xrf0) =	vmax.scan.msk.u32 $0xffff, v3  }
0x4a: {  	(v2sf) =	vpush v7, $0xF;
	[tilespmem:s16], [sflag:$0x1] =	stream.linear.gather [hbm4b:s24+s2], $0x80, $0x38;
	[tilespmem:$0x14200] =	vst v63  }
0x4b: {  	s23 =	sadd.s32 s3, s23;
	s16 =	sadd.s32 $0x700, s19;
	s24 =	sadd.s32 s3, s25;
	v3, _, _ =	vpop (xrf0);
	(xrf0) =	vmax.scan.msk.u32 $0xffff, v1  }
0x4c: {  	v1, _, _ =	vpop (xrf0);
	[tilespmem:s16], [sflag:$0x1] =	stream.linear.gather [hbm4b:s21+s2], $0x80, $0x38;
	[tilespmem:$0x14200] =	vst v63  }
0x4d: {  	p0 =	sne.s32 s15, $0x3E000;
	s18 =	sand.u32 $0x1FFFFFF0, s18;
	s16 =	sadd.s32 $0x780, s19;
	(v2sf) =	vpush v3, $0xF;
	v3, _, _ =	vpop (xrf0)  }
0x4e: {  	v6, _, _ =	vpop (xrf0);
	[tilespmem:s16], [sflag:$0x1] =	stream.linear.gather [hbm4b:s22+s2], $0x80, $0x38;
	[tilespmem:$0x14200] =	vst v63  }
0x4f: {  	s25 =	sadd.s32 s3, s18;
	s18 =	sshll.u32 s20, $0x4;
	s16 =	sadd.s32 $0x800, s19;
	v7, _, _ =	vpop (xrf0)  }
0x50: {  	v8, _, _ =	vpop (xrf0);
	[tilespmem:s16], [sflag:$0x1] =	stream.linear.gather [hbm4b:s23+s2], $0x80, $0x38;
	[tilespmem:$0x14200] =	vst v63  }
0x51: {  	s15 =	sadd.s32 $0x2000, s15;
	s18 =	sand.u32 $0x1FFFFFF0, s18;
	s16 =	sadd.s32 $0x880, s19;
	(v2sf) =	vpush v6, $0xF;
	v6, _, _ =	vpop (xrf0)  }
0x52: {  	(v2sf) =	vpush v4, $0xF;
	[tilespmem:s16], [sflag:$0x1] =	stream.linear.gather [hbm4b:s24+s2], $0x80, $0x38;
	[tilespmem:$0x14200] =	vst v63  }
0x53: {  	s23 =	sadd.s32 s3, s18;
	s16 =	sshra.s32 s26, $0x2;
	s20 =	spop (v2sf)  }
0x54: {  	s18 =	sadd.s32 $0x580, s16;
	s24 =	sshll.u32 s20, $0x4;
	s26 =	spop (v2sf);
	(v2sf) =	vpush v2, $0xF  }
0x55: {  	s17 =	sadd.s32 $0x10, s17;
	s29 =	sadd.s32 $0x980, s19;
	s28 =	spop (v2sf);
	(v2sf) =	vpush v1, $0xF  }
0x56: {  	s19 =	sadd.s32 $0x900, s19;
	s20 =	sadd.s32 $0x500, s16;
	s30 =	spop (v2sf);
	(v2sf) =	vpush v5, $0xF  }
0x57: {  	s31 =	sadd.s32 $0x200, s16;
	s22 =	sadd.s32 $0x400, s16;
	s21 =	sadd.s32 $0x480, s16  }
0x58: {  	s24 =	sand.u32 $0x1FFFFFF0, s24;
	s28 =	sshll.u32 s28, $0x4;
	s0 =	spop (v2sf)  }
0x59: {  	s26 =	sshll.u32 s26, $0x4;
	s0 =	sshll.u32 s0, $0x4;
	s1 =	spop (v2sf)  }
0x5a: {  	(v2sf) =	vpush v3, $0xF;
	[tilespmem:s19], [sflag:$0x1] =	stream.linear.gather [hbm4b:s25+s2], $0x80, $0x38;
	[tilespmem:$0x14200] =	vst v63  }
0x5b: {  	s19 =	sand.u32 $0x1FFFFFF0, s26;
	s0 =	sand.u32 $0x1FFFFFF0, s0;
	s25 =	sshll.u32 s30, $0x4  }
0x5c: {  	s26 =	sand.u32 $0x1FFFFFF0, s28;
	s19 =	sadd.s32 s3, s19;
	s28 =	spop (v2sf)  }
0x5d: {  	[tilespmem:s29], [sflag:$0x1] =	stream.linear.gather [hbm4b:s23+s2], $0x80, $0x38;
	[tilespmem:$0x14200] =	vst v63  }
0x5e: {  	s26 =	sadd.s32 s3, s26;
	s29 =	sadd.s32 s3, s24;
	s23 =	sand.u32 $0x1FFFFFF0, s25;
	(v2sf) =	vpush v7, $0xF  }
0x5f: {  	[tilespmem:s31], [sflag:$0x1] =	stream.linear.gather [hbm4b:s19+s2], $0x80, $0x38;
	[tilespmem:$0x14200] =	vst v63  }
0x60: {  	s30 =	sadd.s32 $0x380, s16;
	s24 =	sadd.s32 s3, s23;
	s23 =	spop (v2sf);
	(v2sf) =	vpush v8, $0xF  }
0x61: {  	s0 =	sadd.s32 s3, s0;
	s19 =	sadd.s32 $0x280, s16;
	v1 =	vld [tilespmem:s17+$0x0];
	s25 =	spop (v2sf)  }
0x62: {  	[tilespmem:s19], [sflag:$0x1] =	stream.linear.gather [hbm4b:s29+s2], $0x80, $0x38;
	(v2sf) =	vpush v6, $0xF;
	[tilespmem:$0x14200] =	vst v63  }
0x63: {  	s1 =	sshll.u32 s1, $0x4;
	s19 =	sshll.u32 s25, $0x4;
	s25 =	spop (v2sf)  }
0x64: {  	s19 =	sand.u32 $0x1FFFFFF0, s19;
	s29 =	sshll.u32 s25, $0x4;
	s31 =	spop (v2sf)  }
0x65: {  	s10 =	sadd.s32 $0x300, s16;
	s1 =	sand.u32 $0x1FFFFFF0, s1;
	s11 =	spop (v2sf)  }
0x66: {  	s28 =	sshll.u32 s28, $0x4;
	s25 =	sadd.s32 s3, s1;
	s1 =	sand.u32 $0x1FFFFFF0, s29;
	v2 =	vnsel vm0, $0x0, v1;
	v3 =	vsel vm1, $0x0, v1;
	v4 =	vsel vm2, $0x0, v1  }
0x67: {  	v2 =	vxor.u32 $0x80000000, v2;
	v3 =	vxor.u32 $0x80000000, v3;
	v4 =	vxor.u32 $0x80000000, v4;
	[tilespmem:s10], [sflag:$0x1] =	stream.linear.gather [hbm4b:s26+s2], $0x80, $0x38;
	[tilespmem:$0x14200] =	vst v63  }
0x68: {  	v5 =	vsel vm3, $0x0, v1;
	v6 =	vsel vm4, $0x0, v1;
	v7 =	vsel vm5, $0x0, v1;
	s10 =	sadd.s32 s3, s19;
	s19 =	sadd.s32 s3, s1;
	s1 =	sand.u32 $0x1FFFFFF0, s28;
	(xrf0) =	vmax.scan.msk.u32 $0xffff, v2  }
0x69: {  	s11 =	sshll.u32 s11, $0x4;
	s26 =	sshll.u32 s31, $0x4;
	v2 =	vxor.u32 $0x80000000, v5;
	v5 =	vxor.u32 $0x80000000, v6;
	v6 =	vxor.u32 $0x80000000, v7;
	(xrf0) =	vmax.scan.msk.u32 $0xffff, v3;
	s28 =	spop (v2sf)  }
0x6a: {  	(xrf0) =	vmax.scan.msk.u32 $0xffff, v4  }
0x6b: {  	v8 =	vsel vm8, $0x0, v1;
	v7 =	vsel vm7, $0x0, v1;
	v3 =	vsel vm6, $0x0, v1;
	[tilespmem:s30], [sflag:$0x1] =	stream.linear.gather [hbm4b:s0+s2], $0x80, $0x38;
	[tilespmem:$0x14200] =	vst v63  }
0x6c: {  	v3 =	vxor.u32 $0x80000000, v3;
	v4 =	vxor.u32 $0x80000000, v7;
	v7 =	vxor.u32 $0x80000000, v8;
	s0 =	sand.u32 $0x1FFFFFF0, s11;
	s11 =	sand.u32 $0x1FFFFFF0, s26;
	s26 =	sshll.u32 s28, $0x4;
	(xrf0) =	vmax.scan.msk.u32 $0xffff, v2  }
0x6d: {  	(xrf0) =	vmax.scan.msk.u32 $0xffff, v5  }
0x6e: {  	v9 =	vsel vm11, $0x0, v1;
	v8 =	vsel vm10, $0x0, v1;
	v2 =	vsel vm9, $0x0, v1;
	[tilespmem:s22], [sflag:$0x1] =	stream.linear.gather [hbm4b:s24+s2], $0x80, $0x38;
	[tilespmem:$0x14200] =	vst v63  }
0x6f: {  	v9 =	vxor.u32 $0x80000000, v9;
	v8 =	vxor.u32 $0x80000000, v8;
	s0 =	sadd.s32 s3, s0;
	v10 =	vxor.u32 $0x80000000, v2;
	s22 =	sand.u32 $0x1FFFFFF0, s26;
	(xrf0) =	vmax.scan.msk.u32 $0xffff, v6;
	s26 =	spop (v2sf)  }
0x70: {  	v12, _, _ =	vpop (xrf0);
	(xrf0) =	vmax.scan.msk.u32 $0xffff, v3  }
0x71: {  	v13 =	vsel vm13, $0x0, v1;
	v11 =	vsel vm14, $0x0, v1;
	v2 =	vsel vm12, $0x0, v1;
	[tilespmem:s21], [sflag:$0x1] =	stream.linear.gather [hbm4b:s10+s2], $0x80, $0x38;
	[tilespmem:$0x14200] =	vst v63  }
0x72: {  	s24 =	sadd.s32 s3, s1;
	v5 =	vxor.u32 $0x80000000, v2;
	v2 =	vxor.u32 $0x80000000, v13;
	s21 =	sadd.s32 s3, s11;
	v6, _, _ =	vpop (xrf0);
	(xrf0) =	vmax.scan.msk.u32 $0xffff, v4;
	s1 =	spop (v2sf)  }
0x73: {  	[tilespmem:s20], [sflag:$0x1] =	stream.linear.gather [hbm4b:s25+s2], $0x80, $0x38;
	[tilespmem:$0x14200] =	vst v63  }
.Ltmp0:
0x74: {  	v1 =	vsel vm15, $0x0, v1;
	v3 =	vxor.u32 $0x80000000, v11;
	(v2sf) =	vpush v6, $0xF;
	v4, _, _ =	vpop (xrf0);
	(xrf0) =	vmax.scan.msk.u32 $0xffff, v7;
	(pc) =	sbr.rel @p0 .LBB2_2-.Ltmp0, $4  }
0x75: {  	s23 =	sshll.u32 s23, $0x4;
	v1 =	vxor.u32 $0x80000000, v1;
	s10 =	sshll.u32 s26, $0x4;
	(v2sf) =	vpush v12, $0xF;
	v6, _, _ =	vpop (xrf0);
	(xrf0) =	vmax.scan.msk.u32 $0xffff, v10;
	s20 =	spop (v2sf)  }
0x76: {  	(v2sf) =	vpush v4, $0xF;
	v4, _, _ =	vpop (xrf0);
	(xrf0) =	vmax.scan.msk.u32 $0xffff, v8  }
0x77: {  	[tilespmem:s18], [sflag:$0x1] =	stream.linear.gather [hbm4b:s0+s2], $0x80, $0x38;
	[tilespmem:$0x14200] =	vst v63  }
0x78: {  	s26 =	sadd.s32 $0x600, s16;
	s25 =	sand.u32 $0x1FFFFFF0, s10;
	s18 =	sshll.u32 s1, $0x4;
	(v2sf) =	vpush v4, $0xF;
	v4, _, _ =	vpop (xrf0);
	(xrf0) =	vmax.scan.msk.u32 $0xffff, v9  }
0x79: {  	[tilespmem:s26], [sflag:$0x1] =	stream.linear.gather [hbm4b:s19+s2], $0x80, $0x38;
	[tilespmem:$0x14200] =	vst v63  }
0x7a: {  	s0 =	sadd.s32 $0x680, s16;
	s19 =	sand.u32 $0x1FFFFFF0, s23;
	s1 =	sadd.s32 $0x700, s16  }
0x7b: {  	s23 =	sadd.s32 s3, s22;
	s10 =	sadd.s32 $0x780, s16;
	s11 =	sadd.s32 $0x800, s16  }
0x7c: {  	[tilespmem:s0], [sflag:$0x1] =	stream.linear.gather [hbm4b:s24+s2], $0x80, $0x38;
	[tilespmem:$0x14200] =	vst v63  }
0x7d: {  	v7, _, _ =	vpop (xrf0);
	(xrf0) =	vmax.scan.msk.u32 $0xffff, v5;
	(v2sf) =	vpush v6, $0xF;
	s31 =	sshll.u32 s20, $0x4;
	s15 =	sadd.s32 $0x880, s16;
	s14 =	sshra.s32 s14, $0x2  }
0x7e: {  	[tilespmem:s1], [sflag:$0x1] =	stream.linear.gather [hbm4b:s21+s2], $0x80, $0x38;
	[tilespmem:$0x14200] =	vst v63  }
0x7f: {  	s29 =	sadd.s32 $0x900, s16;
	v5, _, _ =	vpop (xrf0);
	(v2sf) =	vpush v7, $0xF;
	s17 =	sand.u32 $0x1FFFFFF0, s31;
	s30 =	sadd.s32 $0x200, s14  }
0x80: {  	v6, _, _ =	vpop (xrf0);
	[tilespmem:s10], [sflag:$0x1] =	stream.linear.gather [hbm4b:s23+s2], $0x80, $0x38;
	[tilespmem:$0x14200] =	vst v63  }
0x81: {  	s0 =	sadd.s32 s3, s19;
	s24 =	sadd.s32 s3, s25;
	s25 =	sand.u32 $0x1FFFFFF0, s18;
	v7, _, _ =	vpop (xrf0)  }
0x82: {  	(v2sf) =	vpush v7, $0xF;
	v7, _, _ =	vpop (xrf0);
	[tilespmem:s11], [sflag:$0x1] =	stream.linear.gather [hbm4b:s0+s2], $0x80, $0x38;
	[tilespmem:$0x14200] =	vst v63  }
0x83: {  	s22 =	sadd.s32 $0x400, s14;
	s26 =	sadd.s32 s3, s25;
	s1 =	sadd.s32 s3, s17;
	v8, _, _ =	vpop (xrf0)  }
0x84: {  	v9, _, _ =	vpop (xrf0);
	[tilespmem:s15], [sflag:$0x1] =	stream.linear.gather [hbm4b:s24+s2], $0x80, $0x38;
	[tilespmem:$0x14200] =	vst v63  }
0x85: {  	s21 =	sadd.s32 $0x980, s16;
	s17 =	sadd.s32 $0x500, s14;
	(v2sf) =	vpush v9, $0xF;
	s18 =	spop (v2sf)  }
0x86: {  	s23 =	sadd.s32 $0x480, s14;
	(v2sf) =	vpush v4, $0xF;
	s10 =	sshll.u32 s18, $0x4;
	s19 =	spop (v2sf)  }
0x87: {  	s20 =	spop (v2sf);
	s10 =	sand.u32 $0x1FFFFFF0, s10;
	s11 =	sshll.u32 s19, $0x4  }
0x88: {  	(v2sf) =	vpush v6, $0xF;
	[tilespmem:s29], [sflag:$0x1] =	stream.linear.gather [hbm4b:s26+s2], $0x80, $0x38;
	[tilespmem:$0x14200] =	vst v63  }
0x89: {  	(v2sf) =	vpush v7, $0xF;
	s18 =	sshll.u32 s20, $0x4;
	s16 =	sand.u32 $0x1FFFFFF0, s11;
	s29 =	sadd.s32 s3, s10  }
0x8a: {  	(v2sf) =	vpush v5, $0xF;
	s28 =	spop (v2sf);
	s0 =	sadd.s32 s3, s16;
	s18 =	sand.u32 $0x1FFFFFF0, s18  }
0x8b: {  	[tilespmem:s21], [sflag:$0x1] =	stream.linear.gather [hbm4b:s1+s2], $0x80, $0x38;
	[tilespmem:$0x14200] =	vst v63  }
0x8c: {  	(xrf0) =	vmax.scan.msk.u32 $0xffff, v2;
	s31 =	spop (v2sf);
	s28 =	sshll.u32 s28, $0x4;
	s10 =	sadd.s32 s3, s18  }
0x8d: {  	[tilespmem:s30], [sflag:$0x1] =	stream.linear.gather [hbm4b:s0+s2], $0x80, $0x38;
	[tilespmem:$0x14200] =	vst v63  }
0x8e: {  	s30 =	sadd.s32 $0x280, s14;
	s24 =	sshll.u32 s31, $0x4;
	s25 =	spop (v2sf)  }
0x8f: {  	[tilespmem:s30], [sflag:$0x1] =	stream.linear.gather [hbm4b:s29+s2], $0x80, $0x38;
	[tilespmem:$0x14200] =	vst v63  }
0x90: {  	(xrf0) =	vmax.scan.msk.u32 $0xffff, v3;
	(v2sf) =	vpush v8, $0xF;
	s16 =	sand.u32 $0x1FFFFFF0, s28;
	s28 =	sadd.s32 $0x300, s14;
	s26 =	sand.u32 $0x1FFFFFF0, s24  }
0x91: {  	[tilespmem:s28], [sflag:$0x1] =	stream.linear.gather [hbm4b:s10+s2], $0x80, $0x38;
	[tilespmem:$0x14200] =	vst v63  }
0x92: {  	(xrf0) =	vmax.scan.msk.u32 $0xffff, v1;
	s0 =	sadd.s32 $0x380, s14;
	s11 =	sadd.s32 s3, s26;
	s20 =	spop (v2sf)  }
0x93: {  	v1, _, _ =	vpop (xrf0);
	[tilespmem:s0], [sflag:$0x1] =	stream.linear.gather [hbm4b:s11+s2], $0x80, $0x38;
	[tilespmem:$0x14200] =	vst v63  }
0x94: {  	s15 =	sadd.s32 $0x580, s14;
	(v2sf) =	vpush v1, $0xF;
	s25 =	sshll.u32 s25, $0x4;
	s18 =	spop (v2sf)  }
0x95: {  	s16 =	sadd.s32 s3, s16;
	s19 =	sand.u32 $0x1FFFFFF0, s25;
	s31 =	spop (v2sf)  }
0x96: {  	[tilespmem:s22], [sflag:$0x1] =	stream.linear.gather [hbm4b:s16+s2], $0x80, $0x38;
	[tilespmem:$0x14200] =	vst v63  }
0x97: {  	s30 =	sadd.s32 s3, s19;
	s24 =	sshll.u32 s31, $0x4;
	s26 =	spop (v2sf)  }
0x98: {  	s20 =	sshll.u32 s20, $0x4;
	s1 =	sand.u32 $0x1FFFFFF0, s24;
	s24 =	spop (v2sf)  }
0x99: {  	v1, _, _ =	vpop (xrf0);
	s21 =	sshll.u32 s26, $0x4;
	s11 =	sadd.s32 s3, s1;
	s29 =	spop (v2sf)  }
0x9a: {  	(v2sf) =	vpush v1, $0xF;
	s31 =	sand.u32 $0x1FFFFFF0, s21;
	s21 =	sand.u32 $0x1FFFFFF0, s20;
	s24 =	sshll.u32 s24, $0x4  }
0x9b: {  	v1, _, _ =	vpop (xrf0);
	[tilespmem:s23], [sflag:$0x1] =	stream.linear.gather [hbm4b:s11+s2], $0x80, $0x38;
	[tilespmem:$0x14200] =	vst v63  }
0x9c: {  	(v2sf) =	vpush v1, $0xF;
	s20 =	sadd.s32 $0x600, s14;
	s23 =	sadd.s32 $0x680, s14;
	s22 =	sshll.u32 s29, $0x4  }
0x9d: {  	s1 =	sadd.s32 s3, s31;
	s28 =	sand.u32 $0x1FFFFFF0, s24;
	s26 =	sand.u32 $0x1FFFFFF0, s22  }
0x9e: {  	[tilespmem:s17], [sflag:$0x1] =	stream.linear.gather [hbm4b:s30+s2], $0x80, $0x38;
	[tilespmem:$0x14200] =	vst v63  }
0x9f: {  	s11 =	sadd.s32 s3, s21;
	s25 =	spop (v2sf);
	s0 =	sadd.s32 s3, s26  }
0xa0: {  	[tilespmem:s15], [sflag:$0x1] =	stream.linear.gather [hbm4b:s0+s2], $0x80, $0x38;
	[tilespmem:$0x14200] =	vst v63  }
0xa1: {  	s19 =	sadd.s32 s3, s28;
	s22 =	sshll.u32 s18, $0x4;
	s29 =	sshll.u32 s25, $0x4  }
0xa2: {  	[tilespmem:s20], [sflag:$0x1] =	stream.linear.gather [hbm4b:s1+s2], $0x80, $0x38;
	[tilespmem:$0x14200] =	vst v63  }
0xa3: {  	s31 =	spop (v2sf);
	s26 =	sadd.s32 $0x700, s14;
	s28 =	sand.u32 $0x1FFFFFF0, s22  }
0xa4: {  	[tilespmem:s23], [sflag:$0x1] =	stream.linear.gather [hbm4b:s11+s2], $0x80, $0x38;
	[tilespmem:$0x14200] =	vst v63  }
0xa5: {  	s30 =	sand.u32 $0x1FFFFFF0, s29;
	s24 =	sshll.u32 s31, $0x4;
	s29 =	sadd.s32 $0x780, s14  }
0xa6: {  	[tilespmem:s26], [sflag:$0x1] =	stream.linear.gather [hbm4b:s19+s2], $0x80, $0x38;
	[tilespmem:$0x14200] =	vst v63  }
0xa7: {  	s31 =	sadd.s32 $0x800, s14;
	s15 =	sadd.s32 $0x880, s14;
	s10 =	sadd.s32 s3, s30  }
0xa8: {  	[tilespmem:s29], [sflag:$0x1] =	stream.linear.gather [hbm4b:s10+s2], $0x80, $0x38;
	[tilespmem:$0x14200] =	vst v63  }
0xa9: {  	s0 =	sand.u32 $0x1FFFFFF0, s24;
	s30 =	sadd.s32 s3, s28;
	s21 =	spop (v2sf)  }
0xaa: {  	[tilespmem:s31], [sflag:$0x1] =	stream.linear.gather [hbm4b:s30+s2], $0x80, $0x38;
	[tilespmem:$0x14200] =	vst v63  }
0xab: {  	s0 =	sadd.s32 s3, s0;
	s25 =	spop (v2sf);
	s1 =	sshll.u32 s21, $0x4  }
0xac: {  	s19 =	simm.s32 $0x0;
	s17 =	sand.u32 $0x1FFFFFF0, s1;
	s18 =	sshll.u32 s25, $0x4  }
0xad: {  	[tilespmem:s15], [sflag:$0x1] =	stream.linear.gather [hbm4b:s0+s2], $0x80, $0x38;
	[tilespmem:$0x14200] =	vst v63  }
0xae: {  	s20 =	sadd.s32 $0x900, s14;
	v1 =	vmov s19;
	s0 =	sadd.s32 s3, s17;
	s1 =	sand.u32 $0x1FFFFFF0, s18  }
0xaf: {  	v1 =	vshll.u32 v1, $0x7;
	[tilespmem:s20], [sflag:$0x1] =	stream.linear.gather [hbm4b:s0+s2], $0x80, $0x38;
	[tilespmem:$0x14200] =	vst v63  }
0xb0: {  	s22 =	sadd.s32 $0x980, s14;
	v7 =	vor.u32 v0, v1;
	s21 =	sadd.s32 s3, s1  }
0xb1: {  	[tilespmem:s22], [sflag:$0x1] =	stream.linear.gather [hbm4b:s21+s2], $0x80, $0x38;
	[tilespmem:$0x14200] =	vst v63  }
0xb2: {  	_ =	swait.ge [sflag:s8], $0x10000  }
0xb3: {  	[sflag:s8] =	ssyncset.done $0x0  }
0xb4: {  	[sflag:s8] =	ssyncadd.s32 $0xFFFF0000  }
0xb5: {  	v1 =	vld.idx.msk [tilespmem:v7+s9+$0x0], $0xffff  }
0xb6: {  	v2 =	vor.u32 $0x1, v7;
	_ =	sdelay $0x1  }
0xb7: {  	s23 =	sand.u32 $0x70, s19;
	s24 =	sand.u32 $0xC00, s19  }
0xb8: {  	s18 =	sor.u32 s23, s24  }
0xb9: {  	[tilespmem:s18+$0x10200] =	vst v1  }
0xba: {  	v1 =	vld.idx.msk [tilespmem:v2+s9+$0x0], $0xffff  }
0xbb: {  	v2 =	vor.u32 $0x2, v7;
	_ =	sdelay $0x3  }
0xbc: {  	[tilespmem:s18+$0x10280] =	vst v1  }
0xbd: {  	v1 =	vld.idx.msk [tilespmem:v2+s9+$0x0], $0xffff  }
0xbe: {  	v2 =	vor.u32 $0x3, v7;
	_ =	sdelay $0x3  }
0xbf: {  	[tilespmem:s18+$0x10300] =	vst v1  }
0xc0: {  	v1 =	vld.idx.msk [tilespmem:v2+s9+$0x0], $0xffff  }
0xc1: {  	s25 =	simm.s32 $0x10;
	v2 =	vor.u32 $0x4, v7  }
0xc2: {  	v3 =	vmov s25  }
0xc3: {  	v3 =	vshll.u32 v3, $0x7  }
0xc4: {  	v3 =	vor.u32 v0, v3  }
0xc5: {  	[tilespmem:s18+$0x10380] =	vst v1  }
0xc6: {  	v1 =	vld.idx.msk [tilespmem:v2+s9+$0x0], $0xffff  }
0xc7: {  	v2 =	vor.u32 $0x5, v7;
	_ =	sdelay $0x1  }
0xc8: {  	v4 =	vld.idx.msk [tilespmem:v3+s9+$0x0], $0xffff  }
0xc9: {  	v5 =	vor.u32 $0x1, v3  }
0xca: {  	s26 =	simm.s32 $0x80;
	[tilespmem:s18+$0x10400] =	vst v1  }
0xcb: {  	s29 =	sand.u32 $0xC00, s26;
	s28 =	sand.u32 $0x70, s25;
	v1 =	vld.idx.msk [tilespmem:v2+s9+$0x0], $0xffff  }
0xcc: {  	s15 =	sor.u32 s28, s29;
	v2 =	vor.u32 $0x6, v7  }
0xcd: {  	[tilespmem:s15+$0x10200] =	vst v4  }
0xce: {  	v4 =	vld.idx.msk [tilespmem:v5+s9+$0x0], $0xffff  }
0xcf: {  	v5 =	vor.u32 $0x2, v3  }
0xd0: {  	[tilespmem:s18+$0x10480] =	vst v1  }
0xd1: {  	v1 =	vld.idx.msk [tilespmem:v2+s9+$0x0], $0xffff  }
0xd2: {  	v2 =	vor.u32 $0x7, v7  }
0xd3: {  	[tilespmem:s15+$0x10280] =	vst v4  }
0xd4: {  	v4 =	vld.idx.msk [tilespmem:v5+s9+$0x0], $0xffff  }
0xd5: {  	v5 =	vor.u32 $0x3, v3  }
0xd6: {  	[tilespmem:s18+$0x10500] =	vst v1  }
0xd7: {  	v1 =	vld.idx.msk [tilespmem:v2+s9+$0x0], $0xffff  }
0xd8: {  	v2 =	vor.u32 $0x8, v7  }
0xd9: {  	[tilespmem:s15+$0x10300] =	vst v4  }
0xda: {  	s30 =	sor.u32 s19, s19;
	v4 =	vld.idx.msk [tilespmem:v5+s9+$0x0], $0xffff  }
0xdb: {  	s0 =	sor.u32 $0x380, s30;
	v5 =	vor.u32 $0x4, v3  }
0xdc: {  	s31 =	simm.s32 $0x20;
	[tilespmem:s0+$0x10200] =	vst v1  }
0xdd: {  	v1 =	vmov s31;
	v2 =	vld.idx.msk [tilespmem:v2+s9+$0x0], $0xffff  }
0xde: {  	v6 =	vor.u32 $0x9, v7;
	v1 =	vshll.u32 v1, $0x7  }
0xdf: {  	[tilespmem:s15+$0x10380] =	vst v4;
	v1 =	vor.u32 v0, v1  }
0xe0: {  	v4 =	vld.idx.msk [tilespmem:v5+s9+$0x0], $0xffff  }
0xe1: {  	v5 =	vor.u32 $0x5, v3  }
0xe2: {  	[tilespmem:s18+$0x11200] =	vst v2  }
0xe3: {  	v2 =	vld.idx.msk [tilespmem:v6+s9+$0x0], $0xffff  }
0xe4: {  	v8 =	vor.u32 $0xA, v7;
	v6 =	vld.idx.msk [tilespmem:v1+s9+$0x0], $0xffff  }
0xe5: {  	[tilespmem:s15+$0x10400] =	vst v4;
	v9 =	vor.u32 $0x1, v1  }
0xe6: {  	s10 =	simm.s32 $0x100;
	v4 =	vld.idx.msk [tilespmem:v5+s9+$0x0], $0xffff  }
0xe7: {  	s14 =	sand.u32 $0xC00, s10;
	s11 =	sand.u32 $0x70, s31;
	v5 =	vor.u32 $0x6, v3  }
0xe8: {  	s14 =	sor.u32 s11, s14;
	[tilespmem:s18+$0x11280] =	vst v2  }
0xe9: {  	[tilespmem:s14+$0x10200] =	vst v6;
	v2 =	vld.idx.msk [tilespmem:v8+s9+$0x0], $0xffff  }
0xea: {  	v6 =	vld.idx.msk [tilespmem:v9+s9+$0x0], $0xffff;
	v8 =	vor.u32 $0xB, v7  }
0xeb: {  	[tilespmem:s15+$0x10480] =	vst v4;
	v9 =	vor.u32 $0x2, v1  }
0xec: {  	v4 =	vld.idx.msk [tilespmem:v5+s9+$0x0], $0xffff  }
0xed: {  	v5 =	vor.u32 $0x7, v3  }
0xee: {  	[tilespmem:s18+$0x11300] =	vst v2  }
0xef: {  	[tilespmem:s14+$0x10280] =	vst v6;
	v2 =	vld.idx.msk [tilespmem:v8+s9+$0x0], $0xffff  }
0xf0: {  	v6 =	vld.idx.msk [tilespmem:v9+s9+$0x0], $0xffff;
	v8 =	vor.u32 $0xC, v7  }
0xf1: {  	[tilespmem:s15+$0x10500] =	vst v4;
	v9 =	vor.u32 $0x3, v1  }
0xf2: {  	v4 =	vld.idx.msk [tilespmem:v5+s9+$0x0], $0xffff  }
0xf3: {  	v5 =	vor.u32 $0x8, v3  }
0xf4: {  	[tilespmem:s18+$0x11380] =	vst v2  }
0xf5: {  	s21 =	sor.u32 s26, s25;
	[tilespmem:s14+$0x10300] =	vst v6;
	v2 =	vld.idx.msk [tilespmem:v8+s9+$0x0], $0xffff  }
0xf6: {  	s0 =	sor.u32 $0x380, s21;
	v6 =	vld.idx.msk [tilespmem:v9+s9+$0x0], $0xffff;
	v8 =	vor.u32 $0xD, v7  }
0xf7: {  	s22 =	simm.s32 $0x30;
	[tilespmem:s0+$0x10200] =	vst v4;
	v9 =	vor.u32 $0x4, v1  }
0xf8: {  	v4 =	vld.idx.msk [tilespmem:v5+s9+$0x0], $0xffff;
	v5 =	vmov s22  }
0xf9: {  	v10 =	vor.u32 $0x9, v3;
	v5 =	vshll.u32 v5, $0x7  }
0xfa: {  	[tilespmem:s18+$0x11400] =	vst v2;
	v2 =	vor.u32 v0, v5  }
0xfb: {  	[tilespmem:s14+$0x10380] =	vst v6;
	v5 =	vld.idx.msk [tilespmem:v8+s9+$0x0], $0xffff  }
0xfc: {  	v6 =	vld.idx.msk [tilespmem:v9+s9+$0x0], $0xffff;
	v8 =	vor.u32 $0xE, v7  }
0xfd: {  	[tilespmem:s15+$0x11200] =	vst v4;
	v9 =	vor.u32 $0x5, v1  }
0xfe: {  	v4 =	vld.idx.msk [tilespmem:v10+s9+$0x0], $0xffff  }
0xff: {  	v11 =	vor.u32 $0xA, v3;
	v10 =	vld.idx.msk [tilespmem:v2+s9+$0x0], $0xffff  }
0x100: {  	[tilespmem:s18+$0x11480] =	vst v5;
	v5 =	vor.u32 $0x1, v2  }
0x101: {  	s23 =	simm.s32 $0x180;
	[tilespmem:s14+$0x10400] =	vst v6;
	v6 =	vld.idx.msk [tilespmem:v8+s9+$0x0], $0xffff  }
0x102: {  	s25 =	sand.u32 $0xC00, s23;
	s24 =	sand.u32 $0x70, s22;
	v8 =	vld.idx.msk [tilespmem:v9+s9+$0x0], $0xffff;
	v9 =	vor.u32 $0xF, v7  }
0x103: {  	s16 =	sor.u32 s24, s25;
	v12 =	vor.u32 $0x6, v1;
	[tilespmem:s15+$0x11280] =	vst v4  }
0x104: {  	v4 =	vld.idx.msk [tilespmem:v11+s9+$0x0], $0xffff;
	[tilespmem:s16+$0x10200] =	vst v10  }
0x105: {  	v10 =	vor.u32 $0xB, v3;
	v5 =	vld.idx.msk [tilespmem:v5+s9+$0x0], $0xffff  }
0x106: {  	[tilespmem:s18+$0x11500] =	vst v6;
	v6 =	vor.u32 $0x2, v2  }
0x107: {  	[tilespmem:s14+$0x10480] =	vst v8;
	v8 =	vld.idx.msk [tilespmem:v9+s9+$0x0], $0xffff  }
0x108: {  	v11 =	vor.u32 $0x10, v7;
	v9 =	vld.idx.msk [tilespmem:v12+s9+$0x0], $0xffff  }
0x109: {  	[tilespmem:s15+$0x11300] =	vst v4;
	v12 =	vor.u32 $0x7, v1  }
0x10a: {  	v4 =	vld.idx.msk [tilespmem:v10+s9+$0x0], $0xffff;
	[tilespmem:s16+$0x10280] =	vst v5  }
0x10b: {  	v5 =	vld.idx.msk [tilespmem:v6+s9+$0x0], $0xffff;
	v6 =	vor.u32 $0xC, v3  }
0x10c: {  	[tilespmem:s18+$0x11580] =	vst v8;
	v8 =	vor.u32 $0x3, v2  }
0x10d: {  	[tilespmem:s14+$0x10500] =	vst v9;
	v9 =	vld.idx.msk [tilespmem:v11+s9+$0x0], $0xffff  }
0x10e: {  	v10 =	vld.idx.msk [tilespmem:v12+s9+$0x0], $0xffff;
	v11 =	vor.u32 $0x11, v7  }
0x10f: {  	v12 =	vor.u32 $0x8, v1;
	[tilespmem:s15+$0x11380] =	vst v4  }
0x110: {  	[tilespmem:s16+$0x10300] =	vst v5;
	v4 =	vld.idx.msk [tilespmem:v6+s9+$0x0], $0xffff  }
0x111: {  	s26 =	sor.u32 s10, s31;
	v6 =	vor.u32 $0xD, v3;
	v5 =	vld.idx.msk [tilespmem:v8+s9+$0x0], $0xffff  }
0x112: {  	s0 =	sor.u32 $0x380, s26;
	v8 =	vor.u32 $0x4, v2;
	[tilespmem:s18+$0x12200] =	vst v9  }
0x113: {  	s28 =	simm.s32 $0x40;
	[tilespmem:s0+$0x10200] =	vst v10;
	v9 =	vld.idx.msk [tilespmem:v11+s9+$0x0], $0xffff  }
0x114: {  	v10 =	vld.idx.msk [tilespmem:v12+s9+$0x0], $0xffff;
	v11 =	vmov s28;
	v12 =	vor.u32 $0x12, v7  }
0x115: {  	v13 =	vor.u32 $0x9, v1;
	v11 =	vshll.u32 v11, $0x7;
	[tilespmem:s15+$0x11400] =	vst v4  }
0x116: {  	v4 =	vor.u32 v0, v11;
	[tilespmem:s16+$0x10380] =	vst v5;
	v5 =	vld.idx.msk [tilespmem:v6+s9+$0x0], $0xffff  }
0x117: {  	v6 =	vld.idx.msk [tilespmem:v8+s9+$0x0], $0xffff;
	v8 =	vor.u32 $0xE, v3  }
0x118: {  	[tilespmem:s18+$0x12280] =	vst v9;
	v9 =	vor.u32 $0x5, v2  }
0x119: {  	[tilespmem:s14+$0x11200] =	vst v10;
	v10 =	vld.idx.msk [tilespmem:v12+s9+$0x0], $0xffff  }
0x11a: {  	v11 =	vld.idx.msk [tilespmem:v13+s9+$0x0], $0xffff;
	v12 =	vor.u32 $0x13, v7  }
0x11b: {  	v14 =	vor.u32 $0xA, v1;
	v13 =	vld.idx.msk [tilespmem:v4+s9+$0x0], $0xffff;
	[tilespmem:s15+$0x11480] =	vst v5  }
0x11c: {  	v5 =	vor.u32 $0x1, v4;
	[tilespmem:s16+$0x10400] =	vst v6;
	v6 =	vld.idx.msk [tilespmem:v8+s9+$0x0], $0xffff  }
0x11d: {  	s29 =	simm.s32 $0x200;
	v8 =	vld.idx.msk [tilespmem:v9+s9+$0x0], $0xffff;
	v9 =	vor.u32 $0xF, v3  }
0x11e: {  	s30 =	sand.u32 $0x70, s28;
	s31 =	sand.u32 $0xC00, s29;
	[tilespmem:s18+$0x12300] =	vst v10;
	v10 =	vor.u32 $0x6, v2  }
0x11f: {  	s17 =	sor.u32 s30, s31;
	[tilespmem:s14+$0x11280] =	vst v11;
	v11 =	vld.idx.msk [tilespmem:v12+s9+$0x0], $0xffff  }
0x120: {  	[tilespmem:s17+$0x10200] =	vst v13;
	v12 =	vld.idx.msk [tilespmem:v14+s9+$0x0], $0xffff;
	v13 =	vor.u32 $0x14, v7  }
0x121: {  	v14 =	vor.u32 $0xB, v1;
	v5 =	vld.idx.msk [tilespmem:v5+s9+$0x0], $0xffff;
	[tilespmem:s15+$0x11500] =	vst v6  }
0x122: {  	v6 =	vor.u32 $0x2, v4;
	[tilespmem:s16+$0x10480] =	vst v8;
	v8 =	vld.idx.msk [tilespmem:v9+s9+$0x0], $0xffff  }
0x123: {  	v9 =	vld.idx.msk [tilespmem:v10+s9+$0x0], $0xffff;
	v10 =	vor.u32 $0x10, v3  }
0x124: {  	[tilespmem:s18+$0x12380] =	vst v11;
	v11 =	vor.u32 $0x7, v2  }
0x125: {  	[tilespmem:s14+$0x11300] =	vst v12;
	v12 =	vld.idx.msk [tilespmem:v13+s9+$0x0], $0xffff  }
0x126: {  	[tilespmem:s17+$0x10280] =	vst v5;
	v5 =	vld.idx.msk [tilespmem:v14+s9+$0x0], $0xffff;
	v13 =	vor.u32 $0x15, v7  }
0x127: {  	v14 =	vor.u32 $0xC, v1;
	v6 =	vld.idx.msk [tilespmem:v6+s9+$0x0], $0xffff;
	[tilespmem:s15+$0x11580] =	vst v8  }
0x128: {  	v8 =	vor.u32 $0x3, v4;
	[tilespmem:s16+$0x10500] =	vst v9;
	v9 =	vld.idx.msk [tilespmem:v10+s9+$0x0], $0xffff  }
0x129: {  	v10 =	vld.idx.msk [tilespmem:v11+s9+$0x0], $0xffff;
	v11 =	vor.u32 $0x11, v3  }
0x12a: {  	[tilespmem:s18+$0x12400] =	vst v12;
	v12 =	vor.u32 $0x8, v2  }
0x12b: {  	[tilespmem:s14+$0x11380] =	vst v5;
	v5 =	vld.idx.msk [tilespmem:v13+s9+$0x0], $0xffff  }
0x12c: {  	s1 =	sor.u32 s23, s22;
	[tilespmem:s17+$0x10300] =	vst v6;
	v6 =	vld.idx.msk [tilespmem:v14+s9+$0x0], $0xffff;
	v13 =	vor.u32 $0x16, v7  }
0x12d: {  	s0 =	sor.u32 $0x380, s1;
	v14 =	vor.u32 $0xD, v1;
	v8 =	vld.idx.msk [tilespmem:v8+s9+$0x0], $0xffff;
	[tilespmem:s15+$0x12200] =	vst v9  }
0x12e: {  	s10 =	simm.s32 $0x50;
	v9 =	vor.u32 $0x4, v4;
	[tilespmem:s0+$0x10200] =	vst v10;
	v10 =	vld.idx.msk [tilespmem:v11+s9+$0x0], $0xffff  }
0x12f: {  	v15 =	vor.u32 $0x12, v3;
	v11 =	vld.idx.msk [tilespmem:v12+s9+$0x0], $0xffff;
	v12 =	vmov s10  }
0x130: {  	[tilespmem:s18+$0x12480] =	vst v5;
	v5 =	vshll.u32 v12, $0x7;
	v12 =	vor.u32 $0x9, v2  }
0x131: {  	[tilespmem:s14+$0x11400] =	vst v6;
	v6 =	vld.idx.msk [tilespmem:v13+s9+$0x0], $0xffff;
	v5 =	vor.u32 v0, v5  }
0x132: {  	[tilespmem:s17+$0x10380] =	vst v8;
	v8 =	vld.idx.msk [tilespmem:v14+s9+$0x0], $0xffff;
	v13 =	vor.u32 $0x17, v7  }
0x133: {  	v14 =	vor.u32 $0xE, v1;
	v9 =	vld.idx.msk [tilespmem:v9+s9+$0x0], $0xffff;
	[tilespmem:s15+$0x12280] =	vst v10  }
0x134: {  	v10 =	vor.u32 $0x5, v4;
	[tilespmem:s16+$0x11200] =	vst v11;
	v11 =	vld.idx.msk [tilespmem:v15+s9+$0x0], $0xffff  }
0x135: {  	v15 =	vor.u32 $0x13, v3;
	v12 =	vld.idx.msk [tilespmem:v12+s9+$0x0], $0xffff  }
0x136: {  	v16 =	vld.idx.msk [tilespmem:v5+s9+$0x0], $0xffff;
	[tilespmem:s18+$0x12500] =	vst v6;
	v6 =	vor.u32 $0xA, v2  }
0x137: {  	[tilespmem:s14+$0x11480] =	vst v8;
	v8 =	vld.idx.msk [tilespmem:v13+s9+$0x0], $0xffff;
	v13 =	vor.u32 $0x1, v5  }
0x138: {  	s11 =	simm.s32 $0x280;
	[tilespmem:s17+$0x10400] =	vst v9;
	v9 =	vld.idx.msk [tilespmem:v14+s9+$0x0], $0xffff;
	v14 =	vor.u32 $0x18, v7  }
0x139: {  	s25 =	sand.u32 $0x70, s10;
	s26 =	sand.u32 $0xC00, s11;
	v17 =	vor.u32 $0xF, v1;
	v10 =	vld.idx.msk [tilespmem:v10+s9+$0x0], $0xffff;
	[tilespmem:s15+$0x12300] =	vst v11  }
0x13a: {  	s19 =	sor.u32 s25, s26;
	v11 =	vor.u32 $0x6, v4;
	[tilespmem:s16+$0x11280] =	vst v12;
	v12 =	vld.idx.msk [tilespmem:v15+s9+$0x0], $0xffff  }
0x13b: {  	v15 =	vor.u32 $0x14, v3;
	[tilespmem:s19+$0x10200] =	vst v16;
	v6 =	vld.idx.msk [tilespmem:v6+s9+$0x0], $0xffff  }
0x13c: {  	v13 =	vld.idx.msk [tilespmem:v13+s9+$0x0], $0xffff;
	[tilespmem:s18+$0x12580] =	vst v8;
	v8 =	vor.u32 $0xB, v2  }
0x13d: {  	[tilespmem:s14+$0x11500] =	vst v9;
	v9 =	vld.idx.msk [tilespmem:v14+s9+$0x0], $0xffff;
	v14 =	vor.u32 $0x2, v5  }
0x13e: {  	v16 =	vor.u32 $0x19, v7;
	[tilespmem:s17+$0x10480] =	vst v10;
	v10 =	vld.idx.msk [tilespmem:v17+s9+$0x0], $0xffff  }
0x13f: {  	v17 =	vor.u32 $0x10, v1;
	v11 =	vld.idx.msk [tilespmem:v11+s9+$0x0], $0xffff;
	[tilespmem:s15+$0x12380] =	vst v12  }
0x140: {  	v12 =	vor.u32 $0x7, v4;
	[tilespmem:s16+$0x11300] =	vst v6;
	v6 =	vld.idx.msk [tilespmem:v15+s9+$0x0], $0xffff  }
0x141: {  	[tilespmem:s19+$0x10280] =	vst v13;
	v8 =	vld.idx.msk [tilespmem:v8+s9+$0x0], $0xffff;
	v13 =	vor.u32 $0x15, v3  }
0x142: {  	v14 =	vld.idx.msk [tilespmem:v14+s9+$0x0], $0xffff;
	[tilespmem:s18+$0x13200] =	vst v9;
	v9 =	vor.u32 $0xC, v2  }
0x143: {  	v15 =	vor.u32 $0x3, v5;
	[tilespmem:s14+$0x11580] =	vst v10;
	v10 =	vld.idx.msk [tilespmem:v16+s9+$0x0], $0xffff  }
0x144: {  	[tilespmem:s17+$0x10500] =	vst v11;
	v11 =	vld.idx.msk [tilespmem:v17+s9+$0x0], $0xffff;
	v16 =	vor.u32 $0x1A, v7  }
0x145: {  	v17 =	vor.u32 $0x11, v1;
	v12 =	vld.idx.msk [tilespmem:v12+s9+$0x0], $0xffff;
	[tilespmem:s15+$0x12400] =	vst v6  }
0x146: {  	v6 =	vor.u32 $0x8, v4;
	[tilespmem:s16+$0x11380] =	vst v8;
	v8 =	vld.idx.msk [tilespmem:v13+s9+$0x0], $0xffff  }
0x147: {  	v13 =	vor.u32 $0x16, v3;
	[tilespmem:s19+$0x10300] =	vst v14;
	v9 =	vld.idx.msk [tilespmem:v9+s9+$0x0], $0xffff  }
0x148: {  	s28 =	sor.u32 s29, s28;
	v14 =	vld.idx.msk [tilespmem:v15+s9+$0x0], $0xffff;
	[tilespmem:s18+$0x13280] =	vst v10;
	v10 =	vor.u32 $0xD, v2  }
0x149: {  	s0 =	sor.u32 $0x380, s28;
	[tilespmem:s14+$0x12200] =	vst v11;
	v15 =	vor.u32 $0x4, v5;
	v11 =	vld.idx.msk [tilespmem:v16+s9+$0x0], $0xffff  }
0x14a: {  	s22 =	simm.s32 $0x60;
	[tilespmem:s0+$0x10200] =	vst v12;
	v12 =	vld.idx.msk [tilespmem:v17+s9+$0x0], $0xffff;
	v16 =	vor.u32 $0x1B, v7  }
0x14b: {  	v18 =	vor.u32 $0x12, v1;
	v17 =	vld.idx.msk [tilespmem:v6+s9+$0x0], $0xffff;
	v6 =	vmov s22;
	[tilespmem:s15+$0x12480] =	vst v8  }
0x14c: {  	v6 =	vshll.u32 v6, $0x7;
	v8 =	vor.u32 $0x9, v4;
	[tilespmem:s16+$0x11400] =	vst v9;
	v9 =	vld.idx.msk [tilespmem:v13+s9+$0x0], $0xffff  }
0x14d: {  	v6 =	vor.u32 v0, v6;
	[tilespmem:s19+$0x10380] =	vst v14;
	v10 =	vld.idx.msk [tilespmem:v10+s9+$0x0], $0xffff  }
0x14e: {  	v14 =	vor.u32 $0x17, v3;
	v13 =	vld.idx.msk [tilespmem:v15+s9+$0x0], $0xffff;
	[tilespmem:s18+$0x13300] =	vst v11  }
0x14f: {  	v11 =	vor.u32 $0xE, v2;
	[tilespmem:s14+$0x12280] =	vst v12;
	v12 =	vld.idx.msk [tilespmem:v16+s9+$0x0], $0xffff  }
0x150: {  	v15 =	vor.u32 $0x5, v5;
	[tilespmem:s17+$0x11200] =	vst v17;
	v16 =	vld.idx.msk [tilespmem:v18+s9+$0x0], $0xffff  }
0x151: {  	v17 =	vor.u32 $0x1C, v7;
	v8 =	vld.idx.msk [tilespmem:v8+s9+$0x0], $0xffff  }
0x152: {  	v19 =	vor.u32 $0x13, v1;
	v18 =	vld.idx.msk [tilespmem:v6+s9+$0x0], $0xffff;
	[tilespmem:s15+$0x12500] =	vst v9  }
0x153: {  	v9 =	vor.u32 $0xA, v4;
	[tilespmem:s16+$0x11480] =	vst v10;
	v10 =	vld.idx.msk [tilespmem:v14+s9+$0x0], $0xffff  }
0x154: {  	v14 =	vor.u32 $0x1, v6;
	[tilespmem:s19+$0x10400] =	vst v13;
	v11 =	vld.idx.msk [tilespmem:v11+s9+$0x0], $0xffff  }
0x155: {  	s21 =	simm.s32 $0x300;
	v13 =	vld.idx.msk [tilespmem:v15+s9+$0x0], $0xffff;
	v15 =	vor.u32 $0x18, v3;
	[tilespmem:s18+$0x13380] =	vst v12  }
0x156: {  	s30 =	sand.u32 $0xC00, s21;
	s29 =	sand.u32 $0x70, s22;
	v12 =	vor.u32 $0xF, v2;
	[tilespmem:s14+$0x12300] =	vst v16;
	v16 =	vld.idx.msk [tilespmem:v17+s9+$0x0], $0xffff  }
0x157: {  	s20 =	sor.u32 s29, s30;
	v17 =	vor.u32 $0x6, v5;
	[tilespmem:s17+$0x11280] =	vst v8;
	v8 =	vld.idx.msk [tilespmem:v19+s9+$0x0], $0xffff  }
0x158: {  	[tilespmem:s20+$0x10200] =	vst v18;
	v9 =	vld.idx.msk [tilespmem:v9+s9+$0x0], $0xffff;
	v18 =	vor.u32 $0x1D, v7  }
0x159: {  	v19 =	vor.u32 $0x14, v1;
	v14 =	vld.idx.msk [tilespmem:v14+s9+$0x0], $0xffff;
	[tilespmem:s15+$0x12580] =	vst v10  }
0x15a: {  	v10 =	vor.u32 $0xB, v4;
	[tilespmem:s16+$0x11500] =	vst v11;
	v11 =	vld.idx.msk [tilespmem:v15+s9+$0x0], $0xffff  }
0x15b: {  	v15 =	vor.u32 $0x2, v6;
	[tilespmem:s19+$0x10480] =	vst v13;
	v12 =	vld.idx.msk [tilespmem:v12+s9+$0x0], $0xffff  }
0x15c: {  	v13 =	vld.idx.msk [tilespmem:v17+s9+$0x0], $0xffff;
	v17 =	vor.u32 $0x19, v3;
	[tilespmem:s18+$0x13400] =	vst v16  }
0x15d: {  	v16 =	vor.u32 $0x10, v2;
	[tilespmem:s14+$0x12380] =	vst v8;
	v8 =	vld.idx.msk [tilespmem:v18+s9+$0x0], $0xffff  }
0x15e: {  	v18 =	vor.u32 $0x7, v5;
	[tilespmem:s17+$0x11300] =	vst v9;
	v9 =	vld.idx.msk [tilespmem:v19+s9+$0x0], $0xffff  }
0x15f: {  	[tilespmem:s20+$0x10280] =	vst v14;
	v10 =	vld.idx.msk [tilespmem:v10+s9+$0x0], $0xffff;
	v14 =	vor.u32 $0x1E, v7  }
0x160: {  	v19 =	vor.u32 $0x15, v1;
	v15 =	vld.idx.msk [tilespmem:v15+s9+$0x0], $0xffff;
	[tilespmem:s15+$0x13200] =	vst v11  }
0x161: {  	v11 =	vor.u32 $0xC, v4;
	[tilespmem:s16+$0x11580] =	vst v12;
	v12 =	vld.idx.msk [tilespmem:v17+s9+$0x0], $0xffff  }
0x162: {  	v17 =	vor.u32 $0x3, v6;
	[tilespmem:s19+$0x10500] =	vst v13;
	v13 =	vld.idx.msk [tilespmem:v16+s9+$0x0], $0xffff  }
0x163: {  	v16 =	vld.idx.msk [tilespmem:v18+s9+$0x0], $0xffff;
	v18 =	vor.u32 $0x1A, v3;
	[tilespmem:s18+$0x13480] =	vst v8  }
0x164: {  	v8 =	vor.u32 $0x11, v2;
	[tilespmem:s14+$0x12400] =	vst v9;
	v9 =	vld.idx.msk [tilespmem:v14+s9+$0x0], $0xffff  }
0x165: {  	v20 =	vor.u32 $0x8, v5;
	[tilespmem:s17+$0x11380] =	vst v10;
	v19 =	vld.idx.msk [tilespmem:v19+s9+$0x0], $0xffff  }
0x166: {  	v21 =	vor.u32 $0x1F, v7;
	[tilespmem:s20+$0x10300] =	vst v15;
	v14 =	vld.idx.msk [tilespmem:v11+s9+$0x0], $0xffff  }
0x167: {  	s31 =	sor.u32 s11, s10;
	v10 =	vor.u32 $0x16, v1;
	v17 =	vld.idx.msk [tilespmem:v17+s9+$0x0], $0xffff;
	[tilespmem:s15+$0x13280] =	vst v12  }
0x168: {  	s0 =	sor.u32 $0x380, s31;
	v15 =	vor.u32 $0xD, v4;
	[tilespmem:s16+$0x12200] =	vst v13;
	v11 =	vld.idx.msk [tilespmem:v18+s9+$0x0], $0xffff  }
0x169: {  	[tilespmem:s0+$0x10200] =	vst v16;
	v12 =	vld.idx.msk [tilespmem:v8+s9+$0x0], $0xffff;
	v18 =	vor.u32 $0x4, v6  }
0x16a: {  	s23 =	simm.s32 $0x70;
	v8 =	vor.u32 $0x1B, v3;
	v16 =	vld.idx.msk [tilespmem:v20+s9+$0x0], $0xffff;
	[tilespmem:s18+$0x13500] =	vst v9  }
0x16b: {  	s24 =	simm.s32 $0x300;
	s25 =	simm.s32 $0x80;
	v7 =	vmov s23;
	v9 =	vor.u32 $0x12, v2;
	[tilespmem:s14+$0x12480] =	vst v19;
	v13 =	vld.idx.msk [tilespmem:v21+s9+$0x0], $0xffff  }
.LBB2_4:
0x16c: {  	p0 =	sne.s32 s25, $0x1F0;
	v7 =	vshll.u32 v7, $0x7;
	v19 =	vor.u32 $0x9, v5;
	[tilespmem:s17+$0x11400] =	vst v14;
	v10 =	vld.idx.msk [tilespmem:v10+s9+$0x0], $0xffff  }
0x16d: {  	v7 =	vor.u32 v0, v7;
	[tilespmem:s20+$0x10380] =	vst v17;
	v14 =	vld.idx.msk [tilespmem:v15+s9+$0x0], $0xffff  }
0x16e: {  	v17 =	vor.u32 $0x17, v1;
	v15 =	vld.idx.msk [tilespmem:v18+s9+$0x0], $0xffff;
	[tilespmem:s15+$0x13300] =	vst v11  }
0x16f: {  	v11 =	vor.u32 $0xE, v4;
	[tilespmem:s16+$0x12280] =	vst v12;
	v8 =	vld.idx.msk [tilespmem:v8+s9+$0x0], $0xffff  }
0x170: {  	v12 =	vor.u32 $0x5, v6;
	[tilespmem:s19+$0x11200] =	vst v16;
	v9 =	vld.idx.msk [tilespmem:v9+s9+$0x0], $0xffff  }
0x171: {  	v18 =	vor.u32 $0x1C, v3;
	v16 =	vld.idx.msk [tilespmem:v19+s9+$0x0], $0xffff;
	[tilespmem:s18+$0x13580] =	vst v13;
	s18 =	smov.u32 s15;
	s15 =	smov.u32 s14;
	s14 =	smov.u32 s16  }
0x172: {  	v19 =	vor.u32 $0x13, v2;
	s16 =	smov.u32 s17;
	s17 =	smov.u32 s19;
	s19 =	smov.u32 s20;
	v13 =	vld.idx.msk [tilespmem:v7+s9+$0x0], $0xffff;
	[tilespmem:s15+$0x12500] =	vst v10  }
0x173: {  	v10 =	vor.u32 $0xA, v5;
	[tilespmem:s16+$0x11480] =	vst v14;
	v14 =	vld.idx.msk [tilespmem:v17+s9+$0x0], $0xffff  }
0x174: {  	v17 =	vor.u32 $0x1, v7;
	[tilespmem:s19+$0x10400] =	vst v15;
	v11 =	vld.idx.msk [tilespmem:v11+s9+$0x0], $0xffff  }
0x175: {  	s21 =	sadd.s32 $0x80, s21;
	v15 =	vor.u32 $0x18, v1;
	v12 =	vld.idx.msk [tilespmem:v12+s9+$0x0], $0xffff;
	[tilespmem:s18+$0x13380] =	vst v8  }
0x176: {  	s0 =	sand.u32 $0x70, s23;
	s1 =	sand.u32 $0xC00, s21;
	v8 =	vor.u32 $0xF, v4;
	[tilespmem:s14+$0x12300] =	vst v9;
	v9 =	vld.idx.msk [tilespmem:v18+s9+$0x0], $0xffff  }
0x177: {  	s20 =	sor.u32 s0, s1;
	v18 =	vor.u32 $0x6, v6;
	[tilespmem:s17+$0x11280] =	vst v16;
	v16 =	vld.idx.msk [tilespmem:v19+s9+$0x0], $0xffff  }
0x178: {  	[tilespmem:s20+$0x10200] =	vst v13;
	v10 =	vld.idx.msk [tilespmem:v10+s9+$0x0], $0xffff;
	v13 =	vor.u32 $0x1D, v3  }
0x179: {  	v19 =	vor.u32 $0x14, v2;
	v17 =	vld.idx.msk [tilespmem:v17+s9+$0x0], $0xffff;
	[tilespmem:s15+$0x12580] =	vst v14  }
0x17a: {  	v14 =	vor.u32 $0xB, v5;
	[tilespmem:s16+$0x11500] =	vst v11;
	v11 =	vld.idx.msk [tilespmem:v15+s9+$0x0], $0xffff  }
0x17b: {  	v15 =	vor.u32 $0x2, v7;
	[tilespmem:s19+$0x10480] =	vst v12;
	v8 =	vld.idx.msk [tilespmem:v8+s9+$0x0], $0xffff  }
0x17c: {  	v12 =	vld.idx.msk [tilespmem:v18+s9+$0x0], $0xffff;
	v18 =	vor.u32 $0x19, v1;
	[tilespmem:s18+$0x13400] =	vst v9  }
0x17d: {  	v9 =	vor.u32 $0x10, v4;
	[tilespmem:s14+$0x12380] =	vst v16;
	v13 =	vld.idx.msk [tilespmem:v13+s9+$0x0], $0xffff  }
0x17e: {  	v16 =	vor.u32 $0x7, v6;
	[tilespmem:s17+$0x11300] =	vst v10;
	v10 =	vld.idx.msk [tilespmem:v19+s9+$0x0], $0xffff  }
0x17f: {  	[tilespmem:s20+$0x10280] =	vst v17;
	v14 =	vld.idx.msk [tilespmem:v14+s9+$0x0], $0xffff;
	v17 =	vor.u32 $0x1E, v3  }
0x180: {  	v19 =	vor.u32 $0x15, v2;
	v15 =	vld.idx.msk [tilespmem:v15+s9+$0x0], $0xffff;
	[tilespmem:s15+$0x13200] =	vst v11  }
0x181: {  	v11 =	vor.u32 $0xC, v5;
	[tilespmem:s16+$0x11580] =	vst v8;
	v8 =	vld.idx.msk [tilespmem:v18+s9+$0x0], $0xffff  }
0x182: {  	v18 =	vor.u32 $0x3, v7;
	[tilespmem:s19+$0x10500] =	vst v12;
	v9 =	vld.idx.msk [tilespmem:v9+s9+$0x0], $0xffff  }
0x183: {  	v12 =	vld.idx.msk [tilespmem:v16+s9+$0x0], $0xffff;
	v16 =	vor.u32 $0x1A, v1;
	[tilespmem:s18+$0x13480] =	vst v13  }
0x184: {  	v13 =	vor.u32 $0x11, v4;
	[tilespmem:s14+$0x12400] =	vst v10;
	v20 =	vld.idx.msk [tilespmem:v17+s9+$0x0], $0xffff  }
0x185: {  	v21 =	vor.u32 $0x8, v6;
	[tilespmem:s17+$0x11380] =	vst v14;
	v19 =	vld.idx.msk [tilespmem:v19+s9+$0x0], $0xffff  }
0x186: {  	v22 =	vor.u32 $0x1F, v3;
	v3 =	vmovc v1;
	v1 =	vmovc v2;
	v2 =	vmov v4;
	v4 =	vmov v5;
	[tilespmem:s20+$0x10300] =	vst v15;
	v14 =	vld.idx.msk [tilespmem:v11+s9+$0x0], $0xffff  }
.Ltmp1:
0x187: {  	s0 =	sor.u32 s24, s22;
	s24 =	smov.u32 s21;
	v5 =	vmov v6;
	v6 =	vmov v7;
	v10 =	vor.u32 $0x16, v1;
	v17 =	vld.idx.msk [tilespmem:v18+s9+$0x0], $0xffff;
	[tilespmem:s15+$0x13280] =	vst v8;
	(pc) =	sbr.rel @p0 .LBB2_4-.Ltmp1, $4  }
0x188: {  	s22 =	smov.u32 s23;
	s23 =	smov.u32 s25;
	s0 =	sor.u32 $0x380, s0;
	v15 =	vor.u32 $0xD, v4;
	[tilespmem:s16+$0x12200] =	vst v9;
	v11 =	vld.idx.msk [tilespmem:v16+s9+$0x0], $0xffff  }
0x189: {  	v18 =	vor.u32 $0x4, v6;
	[tilespmem:s0+$0x10200] =	vst v12;
	v12 =	vld.idx.msk [tilespmem:v13+s9+$0x0], $0xffff  }
0x18a: {  	v8 =	vor.u32 $0x1B, v3;
	v16 =	vld.idx.msk [tilespmem:v21+s9+$0x0], $0xffff;
	[tilespmem:s18+$0x13500] =	vst v20  }
0x18b: {  	s25 =	sadd.s32 $0x10, s25;
	v7 =	vmov s23;
	v9 =	vor.u32 $0x12, v2;
	[tilespmem:s14+$0x12480] =	vst v19;
	v13 =	vld.idx.msk [tilespmem:v22+s9+$0x0], $0xffff  }
0x18c: {  	v7 =	vshll.u32 v7, $0x7  }
0x18d: {  	v7 =	vor.u32 v0, v7;
	_ =	sdelay $0x4  }
0x18e: {  	v19 =	vld.idx.msk [tilespmem:v7+s9+$0x0], $0xffff  }
0x18f: {  	v20 =	vor.u32 $0x1, v7  }
0x190: {  	s0 =	sadd.s32 $0x80, s21  }
0x191: {  	s1 =	sand.u32 $0x70, s23;
	s10 =	sand.u32 $0xC00, s0  }
0x192: {  	s28 =	sor.u32 s1, s10  }
0x193: {  	[tilespmem:s28+$0x10200] =	vst v19  }
0x194: {  	v19 =	vld.idx.msk [tilespmem:v20+s9+$0x0], $0xffff  }
0x195: {  	v57 =	vor.u32 $0x2, v7;
	_ =	sdelay $0x3  }
0x196: {  	[tilespmem:s28+$0x10280] =	vst v19  }
0x197: {  	v19 =	vld.idx.msk [tilespmem:v57+s9+$0x0], $0xffff  }
0x198: {  	v58 =	vor.u32 $0x3, v7;
	_ =	sdelay $0x3  }
0x199: {  	[tilespmem:s28+$0x10300] =	vst v19  }
0x19a: {  	v19 =	vld.idx.msk [tilespmem:v58+s9+$0x0], $0xffff  }
0x19b: {  	v59 =	vor.u32 $0x4, v7;
	_ =	sdelay $0x2  }
0x19c: {  	[tilespmem:s20+$0x10380] =	vst v17  }
0x19d: {  	v17 =	vld.idx.msk [tilespmem:v18+s9+$0x0], $0xffff;
	[tilespmem:s28+$0x10380] =	vst v19  }
0x19e: {  	v60 =	vor.u32 $0x5, v6;
	v19 =	vld.idx.msk [tilespmem:v59+s9+$0x0], $0xffff  }
0x19f: {  	v61 =	vor.u32 $0x5, v7;
	_ =	sdelay $0x2  }
0x1a0: {  	[tilespmem:s20+$0x10400] =	vst v17  }
0x1a1: {  	v17 =	vld.idx.msk [tilespmem:v60+s9+$0x0], $0xffff;
	[tilespmem:s28+$0x10400] =	vst v19  }
0x1a2: {  	v62 =	vor.u32 $0x6, v6;
	v19 =	vld.idx.msk [tilespmem:v61+s9+$0x0], $0xffff  }
0x1a3: {  	v63 =	vor.u32 $0x6, v7;
	_ =	sdelay $0x2  }
0x1a4: {  	[tilespmem:s20+$0x10480] =	vst v17  }
0x1a5: {  	v17 =	vld.idx.msk [tilespmem:v62+s9+$0x0], $0xffff;
	[tilespmem:s28+$0x10480] =	vst v19  }
0x1a6: {  	v24 =	vor.u32 $0x7, v6;
	v19 =	vld.idx.msk [tilespmem:v63+s9+$0x0], $0xffff  }
0x1a7: {  	v25 =	vor.u32 $0x7, v7;
	_ =	sdelay $0x2  }
0x1a8: {  	[tilespmem:s20+$0x10500] =	vst v17  }
0x1a9: {  	v17 =	vld.idx.msk [tilespmem:v24+s9+$0x0], $0xffff;
	[tilespmem:s28+$0x10500] =	vst v19  }
0x1aa: {  	v26 =	vor.u32 $0x8, v6;
	v19 =	vld.idx.msk [tilespmem:v25+s9+$0x0], $0xffff  }
0x1ab: {  	v27 =	vor.u32 $0x8, v7  }
0x1ac: {  	s29 =	sor.u32 s24, s22  }
0x1ad: {  	s0 =	sor.u32 s0, s23;
	s1 =	sor.u32 $0x380, s29  }
0x1ae: {  	s0 =	sor.u32 $0x380, s0;
	[tilespmem:s1+$0x10200] =	vst v17  }
0x1af: {  	v28 =	vor.u32 $0x9, v5;
	v18 =	vld.idx.msk [tilespmem:v26+s9+$0x0], $0xffff;
	[tilespmem:s0+$0x10200] =	vst v19  }
0x1b0: {  	v29 =	vor.u32 $0x9, v6;
	v20 =	vld.idx.msk [tilespmem:v27+s9+$0x0], $0xffff  }
0x1b1: {  	v21 =	vor.u32 $0x9, v7;
	_ =	sdelay $0x1  }
0x1b2: {  	[tilespmem:s19+$0x11200] =	vst v16  }
0x1b3: {  	v16 =	vld.idx.msk [tilespmem:v28+s9+$0x0], $0xffff;
	[tilespmem:s20+$0x11200] =	vst v18  }
0x1b4: {  	v30 =	vor.u32 $0xA, v5;
	v18 =	vld.idx.msk [tilespmem:v29+s9+$0x0], $0xffff;
	[tilespmem:s28+$0x11200] =	vst v20  }
0x1b5: {  	v31 =	vor.u32 $0xA, v6;
	v20 =	vld.idx.msk [tilespmem:v21+s9+$0x0], $0xffff  }
0x1b6: {  	v32 =	vor.u32 $0xA, v7;
	_ =	sdelay $0x1  }
0x1b7: {  	[tilespmem:s19+$0x11280] =	vst v16  }
0x1b8: {  	v16 =	vld.idx.msk [tilespmem:v30+s9+$0x0], $0xffff;
	[tilespmem:s20+$0x11280] =	vst v18  }
0x1b9: {  	v33 =	vor.u32 $0xB, v5;
	v18 =	vld.idx.msk [tilespmem:v31+s9+$0x0], $0xffff;
	[tilespmem:s28+$0x11280] =	vst v20  }
0x1ba: {  	v34 =	vor.u32 $0xB, v6;
	v20 =	vld.idx.msk [tilespmem:v32+s9+$0x0], $0xffff  }
0x1bb: {  	v35 =	vor.u32 $0xB, v7;
	_ =	sdelay $0x1  }
0x1bc: {  	[tilespmem:s19+$0x11300] =	vst v16  }
0x1bd: {  	v16 =	vld.idx.msk [tilespmem:v33+s9+$0x0], $0xffff;
	[tilespmem:s20+$0x11300] =	vst v18  }
0x1be: {  	v36 =	vor.u32 $0xC, v5;
	v18 =	vld.idx.msk [tilespmem:v34+s9+$0x0], $0xffff;
	[tilespmem:s28+$0x11300] =	vst v20  }
0x1bf: {  	v37 =	vor.u32 $0xC, v6;
	v20 =	vld.idx.msk [tilespmem:v35+s9+$0x0], $0xffff  }
0x1c0: {  	v38 =	vor.u32 $0xC, v7;
	_ =	sdelay $0x1  }
0x1c1: {  	[tilespmem:s19+$0x11380] =	vst v16  }
0x1c2: {  	v16 =	vld.idx.msk [tilespmem:v36+s9+$0x0], $0xffff;
	[tilespmem:s20+$0x11380] =	vst v18  }
0x1c3: {  	v39 =	vor.u32 $0xD, v5;
	v18 =	vld.idx.msk [tilespmem:v37+s9+$0x0], $0xffff;
	[tilespmem:s28+$0x11380] =	vst v20  }
0x1c4: {  	v40 =	vor.u32 $0xD, v6;
	v20 =	vld.idx.msk [tilespmem:v38+s9+$0x0], $0xffff  }
0x1c5: {  	v41 =	vor.u32 $0xD, v7  }
0x1c6: {  	[tilespmem:s17+$0x11400] =	vst v14  }
0x1c7: {  	v14 =	vld.idx.msk [tilespmem:v15+s9+$0x0], $0xffff;
	[tilespmem:s19+$0x11400] =	vst v16  }
0x1c8: {  	v42 =	vor.u32 $0xE, v4;
	v16 =	vld.idx.msk [tilespmem:v39+s9+$0x0], $0xffff;
	[tilespmem:s20+$0x11400] =	vst v18  }
0x1c9: {  	v43 =	vor.u32 $0xE, v5;
	v18 =	vld.idx.msk [tilespmem:v40+s9+$0x0], $0xffff;
	[tilespmem:s28+$0x11400] =	vst v20  }
0x1ca: {  	v44 =	vor.u32 $0xE, v6;
	v20 =	vld.idx.msk [tilespmem:v41+s9+$0x0], $0xffff  }
0x1cb: {  	v45 =	vor.u32 $0xE, v7  }
0x1cc: {  	[tilespmem:s17+$0x11480] =	vst v14  }
0x1cd: {  	v14 =	vld.idx.msk [tilespmem:v42+s9+$0x0], $0xffff;
	[tilespmem:s19+$0x11480] =	vst v16  }
0x1ce: {  	v46 =	vor.u32 $0xF, v4;
	v16 =	vld.idx.msk [tilespmem:v43+s9+$0x0], $0xffff;
	[tilespmem:s20+$0x11480] =	vst v18  }
0x1cf: {  	v47 =	vor.u32 $0xF, v5;
	v18 =	vld.idx.msk [tilespmem:v44+s9+$0x0], $0xffff;
	[tilespmem:s28+$0x11480] =	vst v20  }
0x1d0: {  	v48 =	vor.u32 $0xF, v6;
	v20 =	vld.idx.msk [tilespmem:v45+s9+$0x0], $0xffff  }
0x1d1: {  	v49 =	vor.u32 $0xF, v7  }
0x1d2: {  	[tilespmem:s17+$0x11500] =	vst v14  }
0x1d3: {  	v14 =	vld.idx.msk [tilespmem:v46+s9+$0x0], $0xffff;
	[tilespmem:s19+$0x11500] =	vst v16  }
0x1d4: {  	v50 =	vor.u32 $0x10, v4;
	v16 =	vld.idx.msk [tilespmem:v47+s9+$0x0], $0xffff;
	[tilespmem:s20+$0x11500] =	vst v18  }
0x1d5: {  	v51 =	vor.u32 $0x10, v5;
	v18 =	vld.idx.msk [tilespmem:v48+s9+$0x0], $0xffff;
	[tilespmem:s28+$0x11500] =	vst v20  }
0x1d6: {  	v52 =	vor.u32 $0x10, v6;
	v20 =	vld.idx.msk [tilespmem:v49+s9+$0x0], $0xffff  }
0x1d7: {  	v53 =	vor.u32 $0x10, v7  }
0x1d8: {  	[tilespmem:s17+$0x11580] =	vst v14  }
0x1d9: {  	v14 =	vld.idx.msk [tilespmem:v50+s9+$0x0], $0xffff;
	[tilespmem:s19+$0x11580] =	vst v16  }
0x1da: {  	v54 =	vor.u32 $0x11, v4;
	v16 =	vld.idx.msk [tilespmem:v51+s9+$0x0], $0xffff;
	[tilespmem:s20+$0x11580] =	vst v18  }
0x1db: {  	v55 =	vor.u32 $0x11, v5;
	v18 =	vld.idx.msk [tilespmem:v52+s9+$0x0], $0xffff;
	[tilespmem:s28+$0x11580] =	vst v20  }
0x1dc: {  	v56 =	vor.u32 $0x11, v6;
	[tilespmem:s15+$0x13300] =	vst v11;
	v57 =	vld.idx.msk [tilespmem:v53+s9+$0x0], $0xffff  }
0x1dd: {  	[tilespmem:s16+$0x12280] =	vst v12;
	v58 =	vor.u32 $0x11, v7  }
0x1de: {  	v10 =	vld.idx.msk [tilespmem:v10+s9+$0x0], $0xffff;
	[tilespmem:s17+$0x12200] =	vst v14  }
0x1df: {  	v14 =	vld.idx.msk [tilespmem:v54+s9+$0x0], $0xffff;
	[tilespmem:s19+$0x12200] =	vst v16  }
0x1e0: {  	v59 =	vor.u32 $0x12, v4;
	v16 =	vld.idx.msk [tilespmem:v55+s9+$0x0], $0xffff;
	[tilespmem:s20+$0x12200] =	vst v18  }
0x1e1: {  	v60 =	vor.u32 $0x12, v5;
	v11 =	vld.idx.msk [tilespmem:v56+s9+$0x0], $0xffff;
	[tilespmem:s28+$0x12200] =	vst v57  }
0x1e2: {  	[tilespmem:s18+$0x13580] =	vst v13;
	v61 =	vor.u32 $0x12, v6;
	v12 =	vld.idx.msk [tilespmem:v58+s9+$0x0], $0xffff  }
0x1e3: {  	v8 =	vld.idx.msk [tilespmem:v8+s9+$0x0], $0xffff;
	[tilespmem:s14+$0x12500] =	vst v10;
	v62 =	vor.u32 $0x12, v7  }
0x1e4: {  	v9 =	vld.idx.msk [tilespmem:v9+s9+$0x0], $0xffff;
	[tilespmem:s17+$0x12280] =	vst v14;
	v63 =	vor.u32 $0x17, v1  }
0x1e5: {  	v15 =	vld.idx.msk [tilespmem:v59+s9+$0x0], $0xffff;
	[tilespmem:s19+$0x12280] =	vst v16;
	v21 =	vor.u32 $0x13, v2  }
0x1e6: {  	v22 =	vor.u32 $0x13, v4;
	v17 =	vld.idx.msk [tilespmem:v60+s9+$0x0], $0xffff;
	[tilespmem:s20+$0x12280] =	vst v11  }
0x1e7: {  	v23 =	vor.u32 $0x13, v5;
	v13 =	vld.idx.msk [tilespmem:v61+s9+$0x0], $0xffff;
	[tilespmem:s28+$0x12280] =	vst v12  }
0x1e8: {  	[tilespmem:s15+$0x13380] =	vst v8;
	v24 =	vor.u32 $0x13, v6;
	v10 =	vld.idx.msk [tilespmem:v62+s9+$0x0], $0xffff  }
0x1e9: {  	[tilespmem:s16+$0x12300] =	vst v9;
	v26 =	vor.u32 $0x13, v7;
	v25 =	vld.idx.msk [tilespmem:v63+s9+$0x0], $0xffff  }
0x1ea: {  	[tilespmem:s17+$0x12300] =	vst v15;
	v34 =	vor.u32 $0x18, v1;
	v14 =	vld.idx.msk [tilespmem:v21+s9+$0x0], $0xffff  }
0x1eb: {  	v28 =	vor.u32 $0x14, v2;
	v16 =	vld.idx.msk [tilespmem:v22+s9+$0x0], $0xffff;
	[tilespmem:s19+$0x12300] =	vst v17  }
0x1ec: {  	v29 =	vor.u32 $0x14, v4;
	v11 =	vld.idx.msk [tilespmem:v23+s9+$0x0], $0xffff;
	[tilespmem:s20+$0x12300] =	vst v13  }
0x1ed: {  	v30 =	vor.u32 $0x14, v5;
	v8 =	vld.idx.msk [tilespmem:v24+s9+$0x0], $0xffff;
	[tilespmem:s28+$0x12300] =	vst v10  }
0x1ee: {  	v31 =	vor.u32 $0x14, v6;
	[tilespmem:s14+$0x12580] =	vst v25;
	v9 =	vld.idx.msk [tilespmem:v26+s9+$0x0], $0xffff  }
0x1ef: {  	v33 =	vor.u32 $0x14, v7;
	v40 =	vld.idx.msk [tilespmem:v34+s9+$0x0], $0xffff;
	[tilespmem:s16+$0x12380] =	vst v14  }
0x1f0: {  	v27 =	vor.u32 $0x1C, v3;
	[tilespmem:s17+$0x12380] =	vst v16;
	v15 =	vld.idx.msk [tilespmem:v28+s9+$0x0], $0xffff  }
0x1f1: {  	v17 =	vld.idx.msk [tilespmem:v29+s9+$0x0], $0xffff;
	v35 =	vor.u32 $0x15, v2;
	[tilespmem:s19+$0x12380] =	vst v11  }
0x1f2: {  	v36 =	vor.u32 $0x15, v4;
	v13 =	vld.idx.msk [tilespmem:v30+s9+$0x0], $0xffff;
	[tilespmem:s20+$0x12380] =	vst v8  }
0x1f3: {  	v37 =	vor.u32 $0x15, v5;
	v10 =	vld.idx.msk [tilespmem:v31+s9+$0x0], $0xffff;
	[tilespmem:s28+$0x12380] =	vst v9  }
0x1f4: {  	[tilespmem:s14+$0x13200] =	vst v40;
	v38 =	vor.u32 $0x15, v6;
	v39 =	vld.idx.msk [tilespmem:v33+s9+$0x0], $0xffff  }
0x1f5: {  	v32 =	vld.idx.msk [tilespmem:v27+s9+$0x0], $0xffff;
	[tilespmem:s16+$0x12400] =	vst v15;
	v41 =	vor.u32 $0x15, v7  }
0x1f6: {  	v42 =	vor.u32 $0x1D, v3;
	[tilespmem:s17+$0x12400] =	vst v17;
	v16 =	vld.idx.msk [tilespmem:v35+s9+$0x0], $0xffff  }
0x1f7: {  	v43 =	vor.u32 $0x16, v2;
	v11 =	vld.idx.msk [tilespmem:v36+s9+$0x0], $0xffff;
	[tilespmem:s19+$0x12400] =	vst v13  }
0x1f8: {  	v44 =	vor.u32 $0x16, v4;
	v8 =	vld.idx.msk [tilespmem:v37+s9+$0x0], $0xffff;
	[tilespmem:s20+$0x12400] =	vst v10  }
0x1f9: {  	v45 =	vor.u32 $0x16, v5;
	v9 =	vld.idx.msk [tilespmem:v38+s9+$0x0], $0xffff;
	[tilespmem:s28+$0x12400] =	vst v39  }
0x1fa: {  	v46 =	vor.u32 $0x16, v6;
	[tilespmem:s15+$0x13400] =	vst v32;
	v47 =	vld.idx.msk [tilespmem:v41+s9+$0x0], $0xffff  }
0x1fb: {  	v48 =	vld.idx.msk [tilespmem:v42+s9+$0x0], $0xffff;
	[tilespmem:s16+$0x12480] =	vst v16;
	v49 =	vor.u32 $0x16, v7  }
0x1fc: {  	v50 =	vor.u32 $0x19, v1;
	v17 =	vld.idx.msk [tilespmem:v43+s9+$0x0], $0xffff;
	[tilespmem:s17+$0x12480] =	vst v11  }
0x1fd: {  	v51 =	vor.u32 $0x17, v2;
	v13 =	vld.idx.msk [tilespmem:v44+s9+$0x0], $0xffff;
	[tilespmem:s19+$0x12480] =	vst v8  }
0x1fe: {  	v52 =	vor.u32 $0x17, v4;
	v10 =	vld.idx.msk [tilespmem:v45+s9+$0x0], $0xffff;
	[tilespmem:s20+$0x12480] =	vst v9  }
0x1ff: {  	v53 =	vor.u32 $0x17, v5;
	v12 =	vld.idx.msk [tilespmem:v46+s9+$0x0], $0xffff;
	[tilespmem:s28+$0x12480] =	vst v47  }
0x200: {  	v54 =	vor.u32 $0x17, v6;
	[tilespmem:s15+$0x13480] =	vst v48;
	v55 =	vld.idx.msk [tilespmem:v49+s9+$0x0], $0xffff  }
0x201: {  	v56 =	vld.idx.msk [tilespmem:v50+s9+$0x0], $0xffff;
	[tilespmem:s16+$0x12500] =	vst v17;
	v57 =	vor.u32 $0x17, v7  }
0x202: {  	v23 =	vor.u32 $0x1A, v1;
	v11 =	vld.idx.msk [tilespmem:v51+s9+$0x0], $0xffff;
	[tilespmem:s17+$0x12500] =	vst v13  }
0x203: {  	v59 =	vor.u32 $0x18, v2;
	v8 =	vld.idx.msk [tilespmem:v52+s9+$0x0], $0xffff;
	[tilespmem:s19+$0x12500] =	vst v10  }
0x204: {  	v60 =	vor.u32 $0x18, v4;
	v9 =	vld.idx.msk [tilespmem:v53+s9+$0x0], $0xffff;
	[tilespmem:s20+$0x12500] =	vst v12  }
0x205: {  	v61 =	vor.u32 $0x18, v5;
	v14 =	vld.idx.msk [tilespmem:v54+s9+$0x0], $0xffff;
	[tilespmem:s28+$0x12500] =	vst v55  }
0x206: {  	[tilespmem:s14+$0x13280] =	vst v56;
	v62 =	vor.u32 $0x18, v6;
	v63 =	vld.idx.msk [tilespmem:v57+s9+$0x0], $0xffff  }
0x207: {  	v22 =	vor.u32 $0x18, v7;
	v28 =	vld.idx.msk [tilespmem:v23+s9+$0x0], $0xffff;
	[tilespmem:s16+$0x12580] =	vst v11  }
0x208: {  	v13 =	vld.idx.msk [tilespmem:v59+s9+$0x0], $0xffff;
	[tilespmem:s17+$0x12580] =	vst v8;
	v58 =	vor.u32 $0x1E, v3  }
0x209: {  	v24 =	vor.u32 $0x19, v2;
	v10 =	vld.idx.msk [tilespmem:v60+s9+$0x0], $0xffff;
	[tilespmem:s19+$0x12580] =	vst v9  }
0x20a: {  	v25 =	vor.u32 $0x19, v4;
	v12 =	vld.idx.msk [tilespmem:v61+s9+$0x0], $0xffff;
	[tilespmem:s20+$0x12580] =	vst v14  }
0x20b: {  	v26 =	vor.u32 $0x19, v5;
	v15 =	vld.idx.msk [tilespmem:v62+s9+$0x0], $0xffff;
	[tilespmem:s28+$0x12580] =	vst v63  }
0x20c: {  	v27 =	vor.u32 $0x19, v6;
	[tilespmem:s14+$0x13300] =	vst v28;
	v11 =	vld.idx.msk [tilespmem:v22+s9+$0x0], $0xffff  }
0x20d: {  	v29 =	vor.u32 $0x19, v7;
	[tilespmem:s16+$0x13200] =	vst v13;
	v21 =	vld.idx.msk [tilespmem:v58+s9+$0x0], $0xffff  }
0x20e: {  	v8 =	vld.idx.msk [tilespmem:v24+s9+$0x0], $0xffff;
	v3 =	vor.u32 $0x1F, v3;
	[tilespmem:s17+$0x13200] =	vst v10  }
0x20f: {  	v30 =	vor.u32 $0x1A, v2;
	v9 =	vld.idx.msk [tilespmem:v25+s9+$0x0], $0xffff;
	[tilespmem:s19+$0x13200] =	vst v12  }
0x210: {  	v31 =	vor.u32 $0x1A, v4;
	v14 =	vld.idx.msk [tilespmem:v26+s9+$0x0], $0xffff;
	[tilespmem:s20+$0x13200] =	vst v15  }
0x211: {  	v32 =	vor.u32 $0x1A, v5;
	v16 =	vld.idx.msk [tilespmem:v27+s9+$0x0], $0xffff;
	[tilespmem:s28+$0x13200] =	vst v11  }
0x212: {  	[tilespmem:s15+$0x13500] =	vst v21;
	v33 =	vor.u32 $0x1A, v6;
	v13 =	vld.idx.msk [tilespmem:v29+s9+$0x0], $0xffff  }
0x213: {  	v34 =	vor.u32 $0x1A, v7;
	[tilespmem:s16+$0x13280] =	vst v8;
	v3 =	vld.idx.msk [tilespmem:v3+s9+$0x0], $0xffff  }
0x214: {  	v35 =	vor.u32 $0x1B, v1;
	v10 =	vld.idx.msk [tilespmem:v30+s9+$0x0], $0xffff;
	[tilespmem:s17+$0x13280] =	vst v9  }
0x215: {  	v36 =	vor.u32 $0x1B, v2;
	v12 =	vld.idx.msk [tilespmem:v31+s9+$0x0], $0xffff;
	[tilespmem:s19+$0x13280] =	vst v14  }
0x216: {  	v37 =	vor.u32 $0x1B, v4;
	v15 =	vld.idx.msk [tilespmem:v32+s9+$0x0], $0xffff;
	[tilespmem:s20+$0x13280] =	vst v16  }
0x217: {  	v38 =	vor.u32 $0x1B, v5;
	v11 =	vld.idx.msk [tilespmem:v33+s9+$0x0], $0xffff;
	[tilespmem:s28+$0x13280] =	vst v13  }
0x218: {  	[tilespmem:s15+$0x13580] =	vst v3;
	v3 =	vor.u32 $0x1B, v6;
	v8 =	vld.idx.msk [tilespmem:v34+s9+$0x0], $0xffff  }
0x219: {  	v40 =	vor.u32 $0x1B, v7;
	v39 =	vld.idx.msk [tilespmem:v35+s9+$0x0], $0xffff;
	[tilespmem:s16+$0x13300] =	vst v10  }
0x21a: {  	v41 =	vor.u32 $0x1C, v1;
	v9 =	vld.idx.msk [tilespmem:v36+s9+$0x0], $0xffff;
	[tilespmem:s17+$0x13300] =	vst v12  }
0x21b: {  	v42 =	vor.u32 $0x1C, v2;
	v14 =	vld.idx.msk [tilespmem:v37+s9+$0x0], $0xffff;
	[tilespmem:s19+$0x13300] =	vst v15  }
0x21c: {  	v43 =	vor.u32 $0x1C, v4;
	v16 =	vld.idx.msk [tilespmem:v38+s9+$0x0], $0xffff;
	[tilespmem:s20+$0x13300] =	vst v11  }
0x21d: {  	v44 =	vor.u32 $0x1C, v5;
	v3 =	vld.idx.msk [tilespmem:v3+s9+$0x0], $0xffff;
	[tilespmem:s28+$0x13300] =	vst v8  }
0x21e: {  	v45 =	vor.u32 $0x1C, v6;
	[tilespmem:s14+$0x13380] =	vst v39;
	v10 =	vld.idx.msk [tilespmem:v40+s9+$0x0], $0xffff  }
0x21f: {  	v46 =	vor.u32 $0x1C, v7;
	[tilespmem:s16+$0x13380] =	vst v9;
	v13 =	vld.idx.msk [tilespmem:v41+s9+$0x0], $0xffff  }
0x220: {  	v47 =	vor.u32 $0x1D, v1;
	v12 =	vld.idx.msk [tilespmem:v42+s9+$0x0], $0xffff;
	[tilespmem:s17+$0x13380] =	vst v14  }
0x221: {  	v48 =	vor.u32 $0x1D, v2;
	v15 =	vld.idx.msk [tilespmem:v43+s9+$0x0], $0xffff;
	[tilespmem:s19+$0x13380] =	vst v16  }
0x222: {  	v49 =	vor.u32 $0x1D, v4;
	v11 =	vld.idx.msk [tilespmem:v44+s9+$0x0], $0xffff;
	[tilespmem:s20+$0x13380] =	vst v3  }
0x223: {  	v3 =	vor.u32 $0x1D, v5;
	v8 =	vld.idx.msk [tilespmem:v45+s9+$0x0], $0xffff;
	[tilespmem:s28+$0x13380] =	vst v10  }
0x224: {  	v50 =	vor.u32 $0x1D, v6;
	[tilespmem:s14+$0x13400] =	vst v13;
	v9 =	vld.idx.msk [tilespmem:v46+s9+$0x0], $0xffff  }
0x225: {  	v51 =	vor.u32 $0x1D, v7;
	[tilespmem:s16+$0x13400] =	vst v12;
	v13 =	vld.idx.msk [tilespmem:v47+s9+$0x0], $0xffff  }
0x226: {  	v52 =	vor.u32 $0x1E, v1;
	v14 =	vld.idx.msk [tilespmem:v48+s9+$0x0], $0xffff;
	[tilespmem:s17+$0x13400] =	vst v15  }
0x227: {  	v53 =	vor.u32 $0x1E, v2;
	v16 =	vld.idx.msk [tilespmem:v49+s9+$0x0], $0xffff;
	[tilespmem:s19+$0x13400] =	vst v11  }
0x228: {  	v54 =	vor.u32 $0x1E, v4;
	v3 =	vld.idx.msk [tilespmem:v3+s9+$0x0], $0xffff;
	[tilespmem:s20+$0x13400] =	vst v8  }
0x229: {  	v55 =	vor.u32 $0x1E, v5;
	v10 =	vld.idx.msk [tilespmem:v50+s9+$0x0], $0xffff;
	[tilespmem:s28+$0x13400] =	vst v9  }
0x22a: {  	v56 =	vor.u32 $0x1E, v6;
	[tilespmem:s14+$0x13480] =	vst v13;
	v12 =	vld.idx.msk [tilespmem:v51+s9+$0x0], $0xffff  }
0x22b: {  	v57 =	vor.u32 $0x1E, v7;
	[tilespmem:s16+$0x13480] =	vst v14;
	v13 =	vld.idx.msk [tilespmem:v52+s9+$0x0], $0xffff  }
0x22c: {  	v1 =	vor.u32 $0x1F, v1;
	v15 =	vld.idx.msk [tilespmem:v53+s9+$0x0], $0xffff;
	[tilespmem:s17+$0x13480] =	vst v16  }
0x22d: {  	v2 =	vor.u32 $0x1F, v2;
	v11 =	vld.idx.msk [tilespmem:v54+s9+$0x0], $0xffff;
	[tilespmem:s19+$0x13480] =	vst v3  }
0x22e: {  	v3 =	vor.u32 $0x1F, v4;
	v58 =	vld.idx.msk [tilespmem:v55+s9+$0x0], $0xffff;
	[tilespmem:s20+$0x13480] =	vst v10  }
0x22f: {  	v59 =	vor.u32 $0x1F, v5;
	v60 =	vld.idx.msk [tilespmem:v56+s9+$0x0], $0xffff;
	[tilespmem:s28+$0x13480] =	vst v12  }
0x230: {  	v61 =	vor.u32 $0x1F, v6;
	[tilespmem:s14+$0x13500] =	vst v13;
	v62 =	vld.idx.msk [tilespmem:v57+s9+$0x0], $0xffff  }
0x231: {  	v7 =	vor.u32 $0x1F, v7;
	[tilespmem:s16+$0x13500] =	vst v15;
	v1 =	vld.idx.msk [tilespmem:v1+s9+$0x0], $0xffff  }
0x232: {  	v2 =	vld.idx.msk [tilespmem:v2+s9+$0x0], $0xffff;
	[tilespmem:s17+$0x13500] =	vst v11  }
0x233: {  	v3 =	vld.idx.msk [tilespmem:v3+s9+$0x0], $0xffff;
	[tilespmem:s19+$0x13500] =	vst v58  }
0x234: {  	v4 =	vld.idx.msk [tilespmem:v59+s9+$0x0], $0xffff;
	[tilespmem:s20+$0x13500] =	vst v60  }
0x235: {  	v63 =	vld.idx.msk [tilespmem:v61+s9+$0x0], $0xffff;
	[tilespmem:s28+$0x13500] =	vst v62  }
0x236: {  	[tilespmem:s14+$0x13580] =	vst v1;
	v1 =	vld.idx.msk [tilespmem:v7+s9+$0x0], $0xffff  }
0x237: {  	[tilespmem:s16+$0x13580] =	vst v2  }
0x238: {  	[tilespmem:s17+$0x13580] =	vst v3  }
0x239: {  	s13 =	sadd.s32 $0x1, s13;
	[tilespmem:s19+$0x13580] =	vst v4  }
0x23a: {  	p0 =	sne.s32 s13, s6;
	[tilespmem:s20+$0x13580] =	vst v63  }
.Ltmp2:
0x23b: {  	s30 =	simm.s32 $0x1000;
	s31 =	simm.s32 $0x20000;
	[tilespmem:s28+$0x13580] =	vst v1;
	(pc) =	sbr.rel @p0 .LBB2_1-.Ltmp2, $4  }
0x23c: {  	[hbm4b:s5+s30] =	stream.strided.scatter [tilespmem:s12], [sflag:$0x2], $0x4000, s31, s30, $0x38;
	[tilespmem:$0x14200] =	vst v63  }
0x23d: {  	_ =	swait.ge [sflag:s7], $0x4000  }
0x23e: {  	[sflag:s7] =	ssyncset.done $0x0  }
0x23f: {  	[sflag:s7] =	ssyncadd.s32 $0xFFFFC000  }
0x240: {  	_ =	sfence.sel $0x180000  }
0x241: {  	[bflag:$0x0] =	sbarrier.arrive $0xFFFF  }
0x242: {  	_ =	strace $0x90000047  }
0x243: {  	s0 =	stileid.u32;
	[bflag:$0x2] =	sbarrier.arrive $0xFFFF  }
0x244: {  	p0 =	sne.s32 s0, $0x0;
	s0 =	rddreg [dreg:$0x3]  }
0x245: {  	s0 =	sadd.s32 @!p0 $0x100000, s0  }
0x246: {  	[sflag:s0] =	ssyncadd.tile.s32 @!p0 $0x1;
	_ =	shalt  }
.Lfunc_end2:
_tile_overlayer_lowered:
.L_overlay_start_2:
0x247: {  	(tag) =	ssettag $0x2  }
0x248: {  	s0 =	rddreg [dreg:$0x0];
	s2 =	stileid.u32  }
0x249: {  	s1 =	rddreg [dreg:$0x1];
	p0 =	sne.s32 s2, $0x0  }
0x24a: {  	s3 =	rddreg [dreg:$0x2];
	[bflag:$0x3] =	sbarrier.arrive $0xFFFF;
	s2 =	simm.s32 @!p0 $0x1C02  }
0x24b: {  	[timem:s3], [sflag:s2] =	dma.local @!p0 [hbm:s0], s1  }
0x24c: {  	s0 =	simm.s32 @!p0 $0x2  }
0x24d: {  	_ =	swait.ge @!p0 [sflag:s0], s1  }
0x24e: {  	s1 =	ssub.s32 @!p0 $0x0, s1;
	[sflag:s0] =	ssyncset.done @!p0 $0x0  }
0x24f: {  	[sflag:s0] =	ssyncadd.s32 @!p0 s1  }
0x250: {  	[bflag:$0x3] =	sbarrier.arrive $0xFFFF  }
0x251: {  	_ =	shalt  }

</sc_bundles>
